<compile_context>
chip_gen: v7x
topology: tpu7x:2x2x1
jax: 0.10.2.dev20260603
libtpu: 0.0.44.dev20260713+nightly
codegen_flags: <defaults>
</compile_context>

<pallas_src>
import dataclasses
import functools

import jax
import jax.numpy as jnp
from jax import lax
from jax.experimental import pallas as pl
from jax.experimental.pallas import tpu as pltpu
from jax.experimental.pallas import tpu_sc as plsc

NC = 2
NS = 16
NW = NC * NS
LANES = 16
RB = 8
DPAD = 128
TCC = 16384


def _sc_compiler_params():
    cp = pltpu.CompilerParams(use_tc_tiling_on_sc=False)
    if "needs_layout_passes" in pltpu.CompilerParams.__dataclass_fields__:
        cp = dataclasses.replace(cp, needs_layout_passes=False)
    return cp


def _tanh_via_exp(x):
    return 1.0 - 2.0 / (jnp.exp(2.0 * x) + 1.0)


def _stage_table(emb_table):
    V, D = emb_table.shape
    H = TCC // 2
    tbl_t = emb_table.T
    grid = (V + TCC - 1) // TCC

    def body(in_ref, out_ref):
        x = in_ref[...]
        hi = x.astype(jnp.bfloat16)
        row = jax.lax.broadcasted_iota(jnp.int32, (D, D // 2), 0)
        colk = jax.lax.broadcasted_iota(jnp.int32, (D, D // 2), 1)
        fbase = 32 * (colk // 16) + (colk % 16)
        pe = (row == fbase).astype(jnp.bfloat16)
        po = (row == fbase + 16).astype(jnp.bfloat16)
        dn = (((0,), (0,)), ((), ()))
        te = jax.lax.dot_general(hi, pe, dn,
                                 preferred_element_type=jnp.float32)
        to = jax.lax.dot_general(hi, po, dn,
                                 preferred_element_type=jnp.float32)
        ai = jax.lax.bitcast_convert_type(te, jnp.int32)
        bi = jax.lax.bitcast_convert_type(to, jnp.int32)
        w = jax.lax.bitwise_or(
            jax.lax.shift_right_logical(ai, 16),
            jax.lax.bitwise_and(bi, jnp.int32(-65536)))
        wf = jax.lax.bitcast_convert_type(w, jnp.float32)
        Q = TCC // 4
        for h in range(4):
            out_ref[:, 32 * h:32 * (h + 1)] = wf[h * Q:(h + 1) * Q]

    staged = pl.pallas_call(
        body,
        grid=(grid,),
        in_specs=[pl.BlockSpec((D, TCC), lambda j: (0, j))],
        out_specs=pl.BlockSpec((TCC // 4, 128), lambda j: (j, 0)),
        out_shape=jax.ShapeDtypeStruct((grid * TCC // 4, 128), jnp.float32),
    )(tbl_t)
    return staged.reshape(grid * TCC, D // 2)


def _permute_indices(idx):
    Q = TCC // 4
    qbits = Q.bit_length() - 1
    return (idx & -TCC) + ((idx & (Q - 1)) << 2) + ((idx >> qbits) & 3)


def kernel(input, emb_table):
    B, S = input.shape
    V, D = emb_table.shape
    nc = D // LANES
    EPW = B // NW

    CH0 = ((S // 2 + 7) // 8) * 8
    CH1 = S - CH0

    def _chunk_max(ref, nrows, acc):
        def row_vecs(r):
            vecs = []
            for cc in range(nc // 2):
                v = ref[r, pl.ds(cc * LANES, LANES)]
                w = plsc.bitcast(v, jnp.int32)
                vecs.append(plsc.bitcast(w << 16, jnp.float32))
                vecs.append(plsc.bitcast(w & jnp.int32(-65536), jnp.float32))
            return vecs

        def body(rb, acc):
            base = rb * RB
            rows = [row_vecs(base + dr) for dr in range(RB)]
            out = []
            for c in range(nc):
                level = [rows[dr][c] for dr in range(RB)]
                while len(level) > 1:
                    nxt = []
                    for j in range(0, len(level) - 1, 2):
                        nxt.append(jnp.maximum(level[j], level[j + 1]))
                    if len(level) % 2:
                        nxt.append(level[-1])
                    level = nxt
                out.append(jnp.maximum(acc[c], level[0]))
            return tuple(out)

        return lax.fori_loop(0, nrows // RB, body, acc)

    mesh = plsc.VectorSubcoreMesh(core_axis_name="c", subcore_axis_name="s")

    @functools.partial(
        pl.kernel,
        out_type=jax.ShapeDtypeStruct((B, D), jnp.float32),
        mesh=mesh,
        compiler_params=_sc_compiler_params(),
        scratch_types=[
            pltpu.VMEM((EPW, S), jnp.int32),
            pltpu.VMEM((CH0, D // 2), jnp.float32),
            pltpu.VMEM((CH1, D // 2), jnp.float32),
            pltpu.VMEM((CH0, D // 2), jnp.float32),
            pltpu.VMEM((CH1, D // 2), jnp.float32),
            pltpu.VMEM((EPW, D), jnp.float32),
            pltpu.SemaphoreType.DMA,
            pltpu.SemaphoreType.DMA,
        ],
    )
    def sc_kernel(tbl_hbm, idx_hbm, out_hbm,
                  idx_v, r0a, r0b, r1a, r1b, out_v, sem0, sem1):
        wid = lax.axis_index("s") * NC + lax.axis_index("c")
        base = wid * EPW
        pltpu.sync_copy(idx_hbm.at[pl.ds(base, EPW)], idx_v)

        def fire(i, ra, rb, sem):
            pltpu.async_copy(tbl_hbm.at[idx_v.at[i, pl.ds(0, CH0)]], ra, sem)
            pltpu.async_copy(tbl_hbm.at[idx_v.at[i, pl.ds(CH0, CH1)]], rb, sem)

        def wait_bufs(ra, rb, sem):
            pltpu.make_async_copy(
                tbl_hbm.at[idx_v.at[0, pl.ds(0, CH0)]], ra, sem).wait()
            pltpu.make_async_copy(
                tbl_hbm.at[idx_v.at[0, pl.ds(CH0, CH1)]], rb, sem).wait()

        def consume(i, ra, rb):
            acc = tuple(jnp.full((LANES,), -jnp.inf, jnp.float32)
                        for _ in range(nc))
            acc = _chunk_max(ra, CH0, acc)
            acc = _chunk_max(rb, CH1, acc)
            for c in range(nc):
                out_v[i, pl.ds(c * LANES, LANES)] = _tanh_via_exp(acc[c])

        fire(0, r0a, r0b, sem0)

        @pl.loop(0, EPW, step=2)
        def _(i):
            fire(i + 1, r1a, r1b, sem1)
            wait_bufs(r0a, r0b, sem0)
            consume(i, r0a, r0b)

            @pl.when(i + 2 < EPW)
            def _():
                fire(i + 2, r0a, r0b, sem0)

            wait_bufs(r1a, r1b, sem1)
            consume(i + 1, r1a, r1b)

        pltpu.sync_copy(out_v, out_hbm.at[pl.ds(base, EPW)])

    staged = _stage_table(emb_table)
    return sc_kernel(staged, _permute_indices(input.astype(jnp.int32)))

# --- scband reference (transcript-rebuilt; emitter-appended) ---
"""Pipeline reference for scband-bowencoder-29411936043608 (READ-ONLY COPY).

The authoritative reference and input builder live on the scoring server;
editing this copy changes nothing except your own understanding.
"""

import jax, jax.numpy as jnp
import numpy as np

VOCAB = 1000000
EMB = 64
B = 4096
S = 200

def setup_inputs(seed: int = 0) -> dict:
    key = jax.random.key(seed)
    k1, k2 = jax.random.split(key)
    inp = jax.random.randint(k1, (B, S), 0, VOCAB, dtype=jnp.int64)
    emb_table = jax.random.normal(k2, (VOCAB, EMB), dtype=jnp.float32)
    return {"input": inp, "emb_table": emb_table}

def reference(input, emb_table):
    # nn.Embedding lookup -> gather rows
    embedded = jnp.take(emb_table, input, axis=0)  # [B, S, EMB]
    # F.dropout with self.training default True, but reference evaluated in eval semantics -> identity
    # max_pool1d over the full seq_len == max over seq axis
    pooled = jnp.max(embedded, axis=1)  # [B, EMB]
    encoding = jnp.tanh(pooled)
    return encoding

if __name__ == "__main__":
    import jax
    _d = setup_inputs()
    print(jax.jit(kernel)(*tuple(_d.values())))

</pallas_src>

<mosaic_0001>
#map = affine_map<(d0, d1) -> (0, 0)>
module attributes {stable_mosaic.version = 14 : i64} {
  func.func @sc_kernel(%arg0: i32, %arg1: i32, %arg2: memref<1015808x32xf32, #tpu.memory_space<hbm>>, %arg3: memref<4096x200xi32, #tpu.memory_space<hbm>>, %arg4: memref<4096x64xf32, #tpu.memory_space<hbm>>, %arg5: memref<128x200xi32, #tpu.memory_space<vmem>>, %arg6: memref<104x32xf32, #tpu.memory_space<vmem>>, %arg7: memref<96x32xf32, #tpu.memory_space<vmem>>, %arg8: memref<104x32xf32, #tpu.memory_space<vmem>>, %arg9: memref<96x32xf32, #tpu.memory_space<vmem>>, %arg10: memref<128x64xf32, #tpu.memory_space<vmem>>, %arg11: memref<!tpu.dma_semaphore, #tpu.memory_space<semaphore_mem>>, %arg12: memref<!tpu.dma_semaphore, #tpu.memory_space<semaphore_mem>>) attributes {dimension_semantics = [#tpu.dimension_semantics<core_parallel>, #tpu.dimension_semantics<subcore_parallel>], iteration_bounds = array<i64: 2, 16>, scalar_prefetch = 0 : i64, scratch_operands = 8 : i64, tpu.core_type = #tpu.core_type<sc_vector_subcore>, window_params = [{transform_indices = #map}, {transform_indices = #map}, {transform_indices = #map}]} {
    %mul3A = arith.constant 2 : i32
    %mul3A_0 = arith.muli %arg1, %mul3A : i32
    %add3A = arith.addi %mul3A_0, %arg0 : i32
    %mul3A_1 = arith.constant 128 : i32
    %mul3A_2 = arith.muli %add3A, %mul3A_1 : i32
    "tpu.region"() ({
      %run_scoped3A = tpu.sem_alloc : memref<!tpu.dma_semaphore, #tpu.memory_space<semaphore_mem>>
      %dma_start3A_20 = arith.constant 0 : i32
      %dma_start3A_21 = tpu.memref_slice %arg3[%mul3A_2, %dma_start3A_20] : memref<4096x200xi32, #tpu.memory_space<hbm>> -> memref<128x200xi32, #tpu.memory_space<hbm>>
      %dma_start3A_22 = arith.constant 0 : i32
      %dma_start3A_23 = tpu.memref_slice %arg3[%mul3A_2, %dma_start3A_22] : memref<4096x200xi32, #tpu.memory_space<hbm>> -> memref<128x200xi32, #tpu.memory_space<hbm>>
      tpu.enqueue_dma source(%dma_start3A_23 : memref<128x200xi32, #tpu.memory_space<hbm>>) target(%arg5 : memref<128x200xi32, #tpu.memory_space<vmem>>) target_semaphore(%run_scoped3A : memref<!tpu.dma_semaphore, #tpu.memory_space<semaphore_mem>>)
      %dma_wait3A = arith.constant 0 : i32
      %dma_wait3A_24 = tpu.memref_slice %arg3[%mul3A_2, %dma_wait3A] : memref<4096x200xi32, #tpu.memory_space<hbm>> -> memref<128x200xi32, #tpu.memory_space<hbm>>
      %dma_wait3A_25 = arith.constant 0 : i32
      %dma_wait3A_26 = tpu.memref_slice %arg3[%mul3A_2, %dma_wait3A_25] : memref<4096x200xi32, #tpu.memory_space<hbm>> -> memref<128x200xi32, #tpu.memory_space<hbm>>
      tpu.wait_dma2 semaphore(%run_scoped3A : memref<!tpu.dma_semaphore, #tpu.memory_space<semaphore_mem>>) src(%dma_wait3A_26 : memref<128x200xi32, #tpu.memory_space<hbm>>) dst(%arg5 : memref<128x200xi32, #tpu.memory_space<vmem>>)
      tpu.yield
    }) : () -> ()
    %dma_start3A = arith.constant 0 : i32
    %dma_start3A_3 = arith.constant 0 : i32
    %dma_start3A_4 = tpu.memref_slice %arg5[%dma_start3A, %dma_start3A_3] : memref<128x200xi32, #tpu.memory_space<vmem>> -> memref<1x104xi32, #tpu.memory_space<vmem>>
    %dma_start3A_5 = tpu.memref_squeeze %dma_start3A_4 : memref<1x104xi32, #tpu.memory_space<vmem>> -> memref<104xi32, #tpu.memory_space<vmem>>
    %dma_start3A_6 = arith.constant 0 : i32
    %dma_start3A_7 = arith.constant 0 : i32
    %dma_start3A_8 = tpu.memref_slice %arg2[%dma_start3A_6, %dma_start3A_7] : memref<1015808x32xf32, #tpu.memory_space<hbm>> -> memref<1015808x32xf32, #tpu.memory_space<hbm>>
    tpu.enqueue_indirect_dma source(%dma_start3A_8 : memref<1015808x32xf32, #tpu.memory_space<hbm>>) target(%arg6 : memref<104x32xf32, #tpu.memory_space<vmem>>) offsets(%dma_start3A_5 : memref<104xi32, #tpu.memory_space<vmem>>) semaphore(%arg11 : memref<!tpu.dma_semaphore, #tpu.memory_space<semaphore_mem>>)
    %dma_start3A_9 = arith.constant 0 : i32
    %dma_start3A_10 = arith.constant 104 : i32
    %dma_start3A_11 = tpu.memref_slice %arg5[%dma_start3A_9, %dma_start3A_10] : memref<128x200xi32, #tpu.memory_space<vmem>> -> memref<1x96xi32, #tpu.memory_space<vmem>>
    %dma_start3A_12 = tpu.memref_squeeze %dma_start3A_11 : memref<1x96xi32, #tpu.memory_space<vmem>> -> memref<96xi32, #tpu.memory_space<vmem>>
    %dma_start3A_13 = arith.constant 0 : i32
    %dma_start3A_14 = arith.constant 0 : i32
    %dma_start3A_15 = tpu.memref_slice %arg2[%dma_start3A_13, %dma_start3A_14] : memref<1015808x32xf32, #tpu.memory_space<hbm>> -> memref<1015808x32xf32, #tpu.memory_space<hbm>>
    tpu.enqueue_indirect_dma source(%dma_start3A_15 : memref<1015808x32xf32, #tpu.memory_space<hbm>>) target(%arg7 : memref<96x32xf32, #tpu.memory_space<vmem>>) offsets(%dma_start3A_12 : memref<96xi32, #tpu.memory_space<vmem>>) semaphore(%arg11 : memref<!tpu.dma_semaphore, #tpu.memory_space<semaphore_mem>>)
    %scan3A = arith.constant 0 : i32
    %scan3A_16 = arith.constant 64 : i32
    %scan3A_17 = arith.addi %scan3A, %scan3A_16 : i32
    %scan3A_18 = arith.constant 1 : i32
    scf.for %scan3A_20 = %scan3A to %scan3A_17 step %scan3A_18  : i32 {
      %mul3A_21 = arith.constant 2 : i32
      %mul3A_22 = arith.muli %scan3A_20, %mul3A_21 : i32
      %add3A_23 = arith.constant 0 : i32
      %add3A_24 = arith.addi %add3A_23, %mul3A_22 : i32
      %add3A_25 = arith.constant 1 : i32
      %add3A_26 = arith.addi %add3A_24, %add3A_25 : i32
      %dma_start3A_27 = arith.constant 0 : i32
      %dma_start3A_28 = tpu.memref_slice %arg5[%add3A_26, %dma_start3A_27] : memref<128x200xi32, #tpu.memory_space<vmem>> -> memref<1x104xi32, #tpu.memory_space<vmem>>
      %dma_start3A_29 = tpu.memref_squeeze %dma_start3A_28 : memref<1x104xi32, #tpu.memory_space<vmem>> -> memref<104xi32, #tpu.memory_space<vmem>>
      %dma_start3A_30 = arith.constant 0 : i32
      %dma_start3A_31 = arith.constant 0 : i32
      %dma_start3A_32 = tpu.memref_slice %arg2[%dma_start3A_30, %dma_start3A_31] : memref<1015808x32xf32, #tpu.memory_space<hbm>> -> memref<1015808x32xf32, #tpu.memory_space<hbm>>
      tpu.enqueue_indirect_dma source(%dma_start3A_32 : memref<1015808x32xf32, #tpu.memory_space<hbm>>) target(%arg8 : memref<104x32xf32, #tpu.memory_space<vmem>>) offsets(%dma_start3A_29 : memref<104xi32, #tpu.memory_space<vmem>>) semaphore(%arg12 : memref<!tpu.dma_semaphore, #tpu.memory_space<semaphore_mem>>)
      %dma_start3A_33 = arith.constant 104 : i32
      %dma_start3A_34 = tpu.memref_slice %arg5[%add3A_26, %dma_start3A_33] : memref<128x200xi32, #tpu.memory_space<vmem>> -> memref<1x96xi32, #tpu.memory_space<vmem>>
      %dma_start3A_35 = tpu.memref_squeeze %dma_start3A_34 : memref<1x96xi32, #tpu.memory_space<vmem>> -> memref<96xi32, #tpu.memory_space<vmem>>
      %dma_start3A_36 = arith.constant 0 : i32
      %dma_start3A_37 = arith.constant 0 : i32
      %dma_start3A_38 = tpu.memref_slice %arg2[%dma_start3A_36, %dma_start3A_37] : memref<1015808x32xf32, #tpu.memory_space<hbm>> -> memref<1015808x32xf32, #tpu.memory_space<hbm>>
      tpu.enqueue_indirect_dma source(%dma_start3A_38 : memref<1015808x32xf32, #tpu.memory_space<hbm>>) target(%arg9 : memref<96x32xf32, #tpu.memory_space<vmem>>) offsets(%dma_start3A_35 : memref<96xi32, #tpu.memory_space<vmem>>) semaphore(%arg12 : memref<!tpu.dma_semaphore, #tpu.memory_space<semaphore_mem>>)
      %dma_wait3A = arith.constant 0 : i32
      %dma_wait3A_39 = arith.constant 0 : i32
      %dma_wait3A_40 = tpu.memref_slice %arg5[%dma_wait3A, %dma_wait3A_39] : memref<128x200xi32, #tpu.memory_space<vmem>> -> memref<1x104xi32, #tpu.memory_space<vmem>>
      %dma_wait3A_41 = tpu.memref_squeeze %dma_wait3A_40 : memref<1x104xi32, #tpu.memory_space<vmem>> -> memref<104xi32, #tpu.memory_space<vmem>>
      %dma_wait3A_42 = arith.constant 0 : i32
      %dma_wait3A_43 = arith.constant 0 : i32
      %dma_wait3A_44 = tpu.memref_slice %arg2[%dma_wait3A_42, %dma_wait3A_43] : memref<1015808x32xf32, #tpu.memory_space<hbm>> -> memref<1015808x32xf32, #tpu.memory_space<hbm>>
      tpu.wait_indirect_dma semaphore(%arg11 : memref<!tpu.dma_semaphore, #tpu.memory_space<semaphore_mem>>) src(%dma_wait3A_44 : memref<1015808x32xf32, #tpu.memory_space<hbm>>) dst(%arg6 : memref<104x32xf32, #tpu.memory_space<vmem>>)
      %dma_wait3A_45 = arith.constant 0 : i32
      %dma_wait3A_46 = arith.constant 104 : i32
      %dma_wait3A_47 = tpu.memref_slice %arg5[%dma_wait3A_45, %dma_wait3A_46] : memref<128x200xi32, #tpu.memory_space<vmem>> -> memref<1x96xi32, #tpu.memory_space<vmem>>
      %dma_wait3A_48 = tpu.memref_squeeze %dma_wait3A_47 : memref<1x96xi32, #tpu.memory_space<vmem>> -> memref<96xi32, #tpu.memory_space<vmem>>
      %dma_wait3A_49 = arith.constant 0 : i32
      %dma_wait3A_50 = arith.constant 0 : i32
      %dma_wait3A_51 = tpu.memref_slice %arg2[%dma_wait3A_49, %dma_wait3A_50] : memref<1015808x32xf32, #tpu.memory_space<hbm>> -> memref<1015808x32xf32, #tpu.memory_space<hbm>>
      tpu.wait_indirect_dma semaphore(%arg11 : memref<!tpu.dma_semaphore, #tpu.memory_space<semaphore_mem>>) src(%dma_wait3A_51 : memref<1015808x32xf32, #tpu.memory_space<hbm>>) dst(%arg7 : memref<96x32xf32, #tpu.memory_space<vmem>>)
      %broadcast_in_dim3A = arith.constant 0xFF800000 : f32
      %broadcast_in_dim3A_52 = vector.broadcast %broadcast_in_dim3A : f32 to vector<16xf32>
      %broadcast_in_dim3A_53 = arith.constant 0xFF800000 : f32
      %broadcast_in_dim3A_54 = vector.broadcast %broadcast_in_dim3A_53 : f32 to vector<16xf32>
      %broadcast_in_dim3A_55 = arith.constant 0xFF800000 : f32
      %broadcast_in_dim3A_56 = vector.broadcast %broadcast_in_dim3A_55 : f32 to vector<16xf32>
      %broadcast_in_dim3A_57 = arith.constant 0xFF800000 : f32
      %broadcast_in_dim3A_58 = vector.broadcast %broadcast_in_dim3A_57 : f32 to vector<16xf32>
      %scan3A_59 = arith.constant 0 : i32
      %scan3A_60 = arith.constant 13 : i32
      %scan3A_61 = arith.addi %scan3A_59, %scan3A_60 : i32
      %scan3A_62 = arith.constant 1 : i32
      %scan3A_63:4 = scf.for %scan3A_235 = %scan3A_59 to %scan3A_61 step %scan3A_62 iter_args(%scan3A_236 = %broadcast_in_dim3A_52, %scan3A_237 = %broadcast_in_dim3A_54, %scan3A_238 = %broadcast_in_dim3A_56, %scan3A_239 = %broadcast_in_dim3A_58) -> (vector<16xf32>, vector<16xf32>, vector<16xf32>, vector<16xf32>)  : i32 {
        %mul3A_240 = arith.constant 8 : i32
        %mul3A_241 = arith.muli %scan3A_235, %mul3A_240 : i32
        %add3A_242 = arith.constant 0 : i32
        %add3A_243 = arith.addi %mul3A_241, %add3A_242 : i32
        %get3A = arith.index_cast %add3A_243 : i32 to index
        %get3A_244 = arith.constant 0 : index
        %get3A_245 = tpu.vector_load %arg6[%get3A, %get3A_244] {strides = array<i32>} : memref<104x32xf32, #tpu.memory_space<vmem>>, vector<16xf32>,
        %bitcast3A = vector.bitcast %get3A_245 : vector<16xf32> to vector<16xi32>
        %shift_left3A = arith.constant 16 : i32
        %shift_left3A_246 = vector.broadcast %shift_left3A : i32 to vector<16xi32>
        %shift_left3A_247 = arith.shli %bitcast3A, %shift_left3A_246 : vector<16xi32>
        %bitcast3A_248 = vector.bitcast %shift_left3A_247 : vector<16xi32> to vector<16xf32>
        %and3A = arith.constant -65536 : i32
        %and3A_249 = vector.broadcast %and3A : i32 to vector<16xi32>
        %and3A_250 = arith.andi %bitcast3A, %and3A_249 : vector<16xi32>
        %bitcast3A_251 = vector.bitcast %and3A_250 : vector<16xi32> to vector<16xf32>
        %get3A_252 = arith.index_cast %add3A_243 : i32 to index
        %get3A_253 = arith.constant 16 : index
        %get3A_254 = tpu.vector_load %arg6[%get3A_252, %get3A_253] {strides = array<i32>} : memref<104x32xf32, #tpu.memory_space<vmem>>, vector<16xf32>,
        %bitcast3A_255 = vector.bitcast %get3A_254 : vector<16xf32> to vector<16xi32>
        %shift_left3A_256 = arith.constant 16 : i32
        %shift_left3A_257 = vector.broadcast %shift_left3A_256 : i32 to vector<16xi32>
        %shift_left3A_258 = arith.shli %bitcast3A_255, %shift_left3A_257 : vector<16xi32>
        %bitcast3A_259 = vector.bitcast %shift_left3A_258 : vector<16xi32> to vector<16xf32>
        %and3A_260 = arith.constant -65536 : i32
        %and3A_261 = vector.broadcast %and3A_260 : i32 to vector<16xi32>
        %and3A_262 = arith.andi %bitcast3A_255, %and3A_261 : vector<16xi32>
        %bitcast3A_263 = vector.bitcast %and3A_262 : vector<16xi32> to vector<16xf32>
        %add3A_264 = arith.constant 1 : i32
        %add3A_265 = arith.addi %mul3A_241, %add3A_264 : i32
        %get3A_266 = arith.index_cast %add3A_265 : i32 to index
        %get3A_267 = arith.constant 0 : index
        %get3A_268 = tpu.vector_load %arg6[%get3A_266, %get3A_267] {strides = array<i32>} : memref<104x32xf32, #tpu.memory_space<vmem>>, vector<16xf32>,
        %bitcast3A_269 = vector.bitcast %get3A_268 : vector<16xf32> to vector<16xi32>
        %shift_left3A_270 = arith.constant 16 : i32
        %shift_left3A_271 = vector.broadcast %shift_left3A_270 : i32 to vector<16xi32>
        %shift_left3A_272 = arith.shli %bitcast3A_269, %shift_left3A_271 : vector<16xi32>
        %bitcast3A_273 = vector.bitcast %shift_left3A_272 : vector<16xi32> to vector<16xf32>
        %and3A_274 = arith.constant -65536 : i32
        %and3A_275 = vector.broadcast %and3A_274 : i32 to vector<16xi32>
        %and3A_276 = arith.andi %bitcast3A_269, %and3A_275 : vector<16xi32>
        %bitcast3A_277 = vector.bitcast %and3A_276 : vector<16xi32> to vector<16xf32>
        %get3A_278 = arith.index_cast %add3A_265 : i32 to index
        %get3A_279 = arith.constant 16 : index
        %get3A_280 = tpu.vector_load %arg6[%get3A_278, %get3A_279] {strides = array<i32>} : memref<104x32xf32, #tpu.memory_space<vmem>>, vector<16xf32>,
        %bitcast3A_281 = vector.bitcast %get3A_280 : vector<16xf32> to vector<16xi32>
        %shift_left3A_282 = arith.constant 16 : i32
        %shift_left3A_283 = vector.broadcast %shift_left3A_282 : i32 to vector<16xi32>
        %shift_left3A_284 = arith.shli %bitcast3A_281, %shift_left3A_283 : vector<16xi32>
        %bitcast3A_285 = vector.bitcast %shift_left3A_284 : vector<16xi32> to vector<16xf32>
        %and3A_286 = arith.constant -65536 : i32
        %and3A_287 = vector.broadcast %and3A_286 : i32 to vector<16xi32>
        %and3A_288 = arith.andi %bitcast3A_281, %and3A_287 : vector<16xi32>
        %bitcast3A_289 = vector.bitcast %and3A_288 : vector<16xi32> to vector<16xf32>
        %add3A_290 = arith.constant 2 : i32
        %add3A_291 = arith.addi %mul3A_241, %add3A_290 : i32
        %get3A_292 = arith.index_cast %add3A_291 : i32 to index
        %get3A_293 = arith.constant 0 : index
        %get3A_294 = tpu.vector_load %arg6[%get3A_292, %get3A_293] {strides = array<i32>} : memref<104x32xf32, #tpu.memory_space<vmem>>, vector<16xf32>,
        %bitcast3A_295 = vector.bitcast %get3A_294 : vector<16xf32> to vector<16xi32>
        %shift_left3A_296 = arith.constant 16 : i32
        %shift_left3A_297 = vector.broadcast %shift_left3A_296 : i32 to vector<16xi32>
        %shift_left3A_298 = arith.shli %bitcast3A_295, %shift_left3A_297 : vector<16xi32>
        %bitcast3A_299 = vector.bitcast %shift_left3A_298 : vector<16xi32> to vector<16xf32>
        %and3A_300 = arith.constant -65536 : i32
        %and3A_301 = vector.broadcast %and3A_300 : i32 to vector<16xi32>
        %and3A_302 = arith.andi %bitcast3A_295, %and3A_301 : vector<16xi32>
        %bitcast3A_303 = vector.bitcast %and3A_302 : vector<16xi32> to vector<16xf32>
        %get3A_304 = arith.index_cast %add3A_291 : i32 to index
        %get3A_305 = arith.constant 16 : index
        %get3A_306 = tpu.vector_load %arg6[%get3A_304, %get3A_305] {strides = array<i32>} : memref<104x32xf32, #tpu.memory_space<vmem>>, vector<16xf32>,
        %bitcast3A_307 = vector.bitcast %get3A_306 : vector<16xf32> to vector<16xi32>
        %shift_left3A_308 = arith.constant 16 : i32
        %shift_left3A_309 = vector.broadcast %shift_left3A_308 : i32 to vector<16xi32>
        %shift_left3A_310 = arith.shli %bitcast3A_307, %shift_left3A_309 : vector<16xi32>
        %bitcast3A_311 = vector.bitcast %shift_left3A_310 : vector<16xi32> to vector<16xf32>
        %and3A_312 = arith.constant -65536 : i32
        %and3A_313 = vector.broadcast %and3A_312 : i32 to vector<16xi32>
        %and3A_314 = arith.andi %bitcast3A_307, %and3A_313 : vector<16xi32>
        %bitcast3A_315 = vector.bitcast %and3A_314 : vector<16xi32> to vector<16xf32>
        %add3A_316 = arith.constant 3 : i32
        %add3A_317 = arith.addi %mul3A_241, %add3A_316 : i32
        %get3A_318 = arith.index_cast %add3A_317 : i32 to index
        %get3A_319 = arith.constant 0 : index
        %get3A_320 = tpu.vector_load %arg6[%get3A_318, %get3A_319] {strides = array<i32>} : memref<104x32xf32, #tpu.memory_space<vmem>>, vector<16xf32>,
        %bitcast3A_321 = vector.bitcast %get3A_320 : vector<16xf32> to vector<16xi32>
        %shift_left3A_322 = arith.constant 16 : i32
        %shift_left3A_323 = vector.broadcast %shift_left3A_322 : i32 to vector<16xi32>
        %shift_left3A_324 = arith.shli %bitcast3A_321, %shift_left3A_323 : vector<16xi32>
        %bitcast3A_325 = vector.bitcast %shift_left3A_324 : vector<16xi32> to vector<16xf32>
        %and3A_326 = arith.constant -65536 : i32
        %and3A_327 = vector.broadcast %and3A_326 : i32 to vector<16xi32>
        %and3A_328 = arith.andi %bitcast3A_321, %and3A_327 : vector<16xi32>
        %bitcast3A_329 = vector.bitcast %and3A_328 : vector<16xi32> to vector<16xf32>
        %get3A_330 = arith.index_cast %add3A_317 : i32 to index
        %get3A_331 = arith.constant 16 : index
        %get3A_332 = tpu.vector_load %arg6[%get3A_330, %get3A_331] {strides = array<i32>} : memref<104x32xf32, #tpu.memory_space<vmem>>, vector<16xf32>,
        %bitcast3A_333 = vector.bitcast %get3A_332 : vector<16xf32> to vector<16xi32>
        %shift_left3A_334 = arith.constant 16 : i32
        %shift_left3A_335 = vector.broadcast %shift_left3A_334 : i32 to vector<16xi32>
        %shift_left3A_336 = arith.shli %bitcast3A_333, %shift_left3A_335 : vector<16xi32>
        %bitcast3A_337 = vector.bitcast %shift_left3A_336 : vector<16xi32> to vector<16xf32>
        %and3A_338 = arith.constant -65536 : i32
        %and3A_339 = vector.broadcast %and3A_338 : i32 to vector<16xi32>
        %and3A_340 = arith.andi %bitcast3A_333, %and3A_339 : vector<16xi32>
        %bitcast3A_341 = vector.bitcast %and3A_340 : vector<16xi32> to vector<16xf32>
        %add3A_342 = arith.constant 4 : i32
        %add3A_343 = arith.addi %mul3A_241, %add3A_342 : i32
        %get3A_344 = arith.index_cast %add3A_343 : i32 to index
        %get3A_345 = arith.constant 0 : index
        %get3A_346 = tpu.vector_load %arg6[%get3A_344, %get3A_345] {strides = array<i32>} : memref<104x32xf32, #tpu.memory_space<vmem>>, vector<16xf32>,
        %bitcast3A_347 = vector.bitcast %get3A_346 : vector<16xf32> to vector<16xi32>
        %shift_left3A_348 = arith.constant 16 : i32
        %shift_left3A_349 = vector.broadcast %shift_left3A_348 : i32 to vector<16xi32>
        %shift_left3A_350 = arith.shli %bitcast3A_347, %shift_left3A_349 : vector<16xi32>
        %bitcast3A_351 = vector.bitcast %shift_left3A_350 : vector<16xi32> to vector<16xf32>
        %and3A_352 = arith.constant -65536 : i32
        %and3A_353 = vector.broadcast %and3A_352 : i32 to vector<16xi32>
        %and3A_354 = arith.andi %bitcast3A_347, %and3A_353 : vector<16xi32>
        %bitcast3A_355 = vector.bitcast %and3A_354 : vector<16xi32> to vector<16xf32>
        %get3A_356 = arith.index_cast %add3A_343 : i32 to index
        %get3A_357 = arith.constant 16 : index
        %get3A_358 = tpu.vector_load %arg6[%get3A_356, %get3A_357] {strides = array<i32>} : memref<104x32xf32, #tpu.memory_space<vmem>>, vector<16xf32>,
        %bitcast3A_359 = vector.bitcast %get3A_358 : vector<16xf32> to vector<16xi32>
        %shift_left3A_360 = arith.constant 16 : i32
        %shift_left3A_361 = vector.broadcast %shift_left3A_360 : i32 to vector<16xi32>
        %shift_left3A_362 = arith.shli %bitcast3A_359, %shift_left3A_361 : vector<16xi32>
        %bitcast3A_363 = vector.bitcast %shift_left3A_362 : vector<16xi32> to vector<16xf32>
        %and3A_364 = arith.constant -65536 : i32
        %and3A_365 = vector.broadcast %and3A_364 : i32 to vector<16xi32>
        %and3A_366 = arith.andi %bitcast3A_359, %and3A_365 : vector<16xi32>
        %bitcast3A_367 = vector.bitcast %and3A_366 : vector<16xi32> to vector<16xf32>
        %add3A_368 = arith.constant 5 : i32
        %add3A_369 = arith.addi %mul3A_241, %add3A_368 : i32
        %get3A_370 = arith.index_cast %add3A_369 : i32 to index
        %get3A_371 = arith.constant 0 : index
        %get3A_372 = tpu.vector_load %arg6[%get3A_370, %get3A_371] {strides = array<i32>} : memref<104x32xf32, #tpu.memory_space<vmem>>, vector<16xf32>,
        %bitcast3A_373 = vector.bitcast %get3A_372 : vector<16xf32> to vector<16xi32>
        %shift_left3A_374 = arith.constant 16 : i32
        %shift_left3A_375 = vector.broadcast %shift_left3A_374 : i32 to vector<16xi32>
        %shift_left3A_376 = arith.shli %bitcast3A_373, %shift_left3A_375 : vector<16xi32>
        %bitcast3A_377 = vector.bitcast %shift_left3A_376 : vector<16xi32> to vector<16xf32>
        %and3A_378 = arith.constant -65536 : i32
        %and3A_379 = vector.broadcast %and3A_378 : i32 to vector<16xi32>
        %and3A_380 = arith.andi %bitcast3A_373, %and3A_379 : vector<16xi32>
        %bitcast3A_381 = vector.bitcast %and3A_380 : vector<16xi32> to vector<16xf32>
        %get3A_382 = arith.index_cast %add3A_369 : i32 to index
        %get3A_383 = arith.constant 16 : index
        %get3A_384 = tpu.vector_load %arg6[%get3A_382, %get3A_383] {strides = array<i32>} : memref<104x32xf32, #tpu.memory_space<vmem>>, vector<16xf32>,
        %bitcast3A_385 = vector.bitcast %get3A_384 : vector<16xf32> to vector<16xi32>
        %shift_left3A_386 = arith.constant 16 : i32
        %shift_left3A_387 = vector.broadcast %shift_left3A_386 : i32 to vector<16xi32>
        %shift_left3A_388 = arith.shli %bitcast3A_385, %shift_left3A_387 : vector<16xi32>
        %bitcast3A_389 = vector.bitcast %shift_left3A_388 : vector<16xi32> to vector<16xf32>
        %and3A_390 = arith.constant -65536 : i32
        %and3A_391 = vector.broadcast %and3A_390 : i32 to vector<16xi32>
        %and3A_392 = arith.andi %bitcast3A_385, %and3A_391 : vector<16xi32>
        %bitcast3A_393 = vector.bitcast %and3A_392 : vector<16xi32> to vector<16xf32>
        %add3A_394 = arith.constant 6 : i32
        %add3A_395 = arith.addi %mul3A_241, %add3A_394 : i32
        %get3A_396 = arith.index_cast %add3A_395 : i32 to index
        %get3A_397 = arith.constant 0 : index
        %get3A_398 = tpu.vector_load %arg6[%get3A_396, %get3A_397] {strides = array<i32>} : memref<104x32xf32, #tpu.memory_space<vmem>>, vector<16xf32>,
        %bitcast3A_399 = vector.bitcast %get3A_398 : vector<16xf32> to vector<16xi32>
        %shift_left3A_400 = arith.constant 16 : i32
        %shift_left3A_401 = vector.broadcast %shift_left3A_400 : i32 to vector<16xi32>
        %shift_left3A_402 = arith.shli %bitcast3A_399, %shift_left3A_401 : vector<16xi32>
        %bitcast3A_403 = vector.bitcast %shift_left3A_402 : vector<16xi32> to vector<16xf32>
        %and3A_404 = arith.constant -65536 : i32
        %and3A_405 = vector.broadcast %and3A_404 : i32 to vector<16xi32>
        %and3A_406 = arith.andi %bitcast3A_399, %and3A_405 : vector<16xi32>
        %bitcast3A_407 = vector.bitcast %and3A_406 : vector<16xi32> to vector<16xf32>
        %get3A_408 = arith.index_cast %add3A_395 : i32 to index
        %get3A_409 = arith.constant 16 : index
        %get3A_410 = tpu.vector_load %arg6[%get3A_408, %get3A_409] {strides = array<i32>} : memref<104x32xf32, #tpu.memory_space<vmem>>, vector<16xf32>,
        %bitcast3A_411 = vector.bitcast %get3A_410 : vector<16xf32> to vector<16xi32>
        %shift_left3A_412 = arith.constant 16 : i32
        %shift_left3A_413 = vector.broadcast %shift_left3A_412 : i32 to vector<16xi32>
        %shift_left3A_414 = arith.shli %bitcast3A_411, %shift_left3A_413 : vector<16xi32>
        %bitcast3A_415 = vector.bitcast %shift_left3A_414 : vector<16xi32> to vector<16xf32>
        %and3A_416 = arith.constant -65536 : i32
        %and3A_417 = vector.broadcast %and3A_416 : i32 to vector<16xi32>
        %and3A_418 = arith.andi %bitcast3A_411, %and3A_417 : vector<16xi32>
        %bitcast3A_419 = vector.bitcast %and3A_418 : vector<16xi32> to vector<16xf32>
        %add3A_420 = arith.constant 7 : i32
        %add3A_421 = arith.addi %mul3A_241, %add3A_420 : i32
        %get3A_422 = arith.index_cast %add3A_421 : i32 to index
        %get3A_423 = arith.constant 0 : index
        %get3A_424 = tpu.vector_load %arg6[%get3A_422, %get3A_423] {strides = array<i32>} : memref<104x32xf32, #tpu.memory_space<vmem>>, vector<16xf32>,
        %bitcast3A_425 = vector.bitcast %get3A_424 : vector<16xf32> to vector<16xi32>
        %shift_left3A_426 = arith.constant 16 : i32
        %shift_left3A_427 = vector.broadcast %shift_left3A_426 : i32 to vector<16xi32>
        %shift_left3A_428 = arith.shli %bitcast3A_425, %shift_left3A_427 : vector<16xi32>
        %bitcast3A_429 = vector.bitcast %shift_left3A_428 : vector<16xi32> to vector<16xf32>
        %and3A_430 = arith.constant -65536 : i32
        %and3A_431 = vector.broadcast %and3A_430 : i32 to vector<16xi32>
        %and3A_432 = arith.andi %bitcast3A_425, %and3A_431 : vector<16xi32>
        %bitcast3A_433 = vector.bitcast %and3A_432 : vector<16xi32> to vector<16xf32>
        %get3A_434 = arith.index_cast %add3A_421 : i32 to index
        %get3A_435 = arith.constant 16 : index
        %get3A_436 = tpu.vector_load %arg6[%get3A_434, %get3A_435] {strides = array<i32>} : memref<104x32xf32, #tpu.memory_space<vmem>>, vector<16xf32>,
        %bitcast3A_437 = vector.bitcast %get3A_436 : vector<16xf32> to vector<16xi32>
        %shift_left3A_438 = arith.constant 16 : i32
        %shift_left3A_439 = vector.broadcast %shift_left3A_438 : i32 to vector<16xi32>
        %shift_left3A_440 = arith.shli %bitcast3A_437, %shift_left3A_439 : vector<16xi32>
        %bitcast3A_441 = vector.bitcast %shift_left3A_440 : vector<16xi32> to vector<16xf32>
        %and3A_442 = arith.constant -65536 : i32
        %and3A_443 = vector.broadcast %and3A_442 : i32 to vector<16xi32>
        %and3A_444 = arith.andi %bitcast3A_437, %and3A_443 : vector<16xi32>
        %bitcast3A_445 = vector.bitcast %and3A_444 : vector<16xi32> to vector<16xf32>
        %max3A = arith.maximumf %bitcast3A_248, %bitcast3A_273 : vector<16xf32>
        %max3A_446 = arith.maximumf %bitcast3A_299, %bitcast3A_325 : vector<16xf32>
        %max3A_447 = arith.maximumf %bitcast3A_351, %bitcast3A_377 : vector<16xf32>
        %max3A_448 = arith.maximumf %bitcast3A_403, %bitcast3A_429 : vector<16xf32>
        %max3A_449 = arith.maximumf %max3A, %max3A_446 : vector<16xf32>
        %max3A_450 = arith.maximumf %max3A_447, %max3A_448 : vector<16xf32>
        %max3A_451 = arith.maximumf %max3A_449, %max3A_450 : vector<16xf32>
        %max3A_452 = arith.maximumf %scan3A_236, %max3A_451 : vector<16xf32>
        %max3A_453 = arith.maximumf %bitcast3A_251, %bitcast3A_277 : vector<16xf32>
        %max3A_454 = arith.maximumf %bitcast3A_303, %bitcast3A_329 : vector<16xf32>
        %max3A_455 = arith.maximumf %bitcast3A_355, %bitcast3A_381 : vector<16xf32>
        %max3A_456 = arith.maximumf %bitcast3A_407, %bitcast3A_433 : vector<16xf32>
        %max3A_457 = arith.maximumf %max3A_453, %max3A_454 : vector<16xf32>
        %max3A_458 = arith.maximumf %max3A_455, %max3A_456 : vector<16xf32>
        %max3A_459 = arith.maximumf %max3A_457, %max3A_458 : vector<16xf32>
        %max3A_460 = arith.maximumf %scan3A_237, %max3A_459 : vector<16xf32>
        %max3A_461 = arith.maximumf %bitcast3A_259, %bitcast3A_285 : vector<16xf32>
        %max3A_462 = arith.maximumf %bitcast3A_311, %bitcast3A_337 : vector<16xf32>
        %max3A_463 = arith.maximumf %bitcast3A_363, %bitcast3A_389 : vector<16xf32>
        %max3A_464 = arith.maximumf %bitcast3A_415, %bitcast3A_441 : vector<16xf32>
        %max3A_465 = arith.maximumf %max3A_461, %max3A_462 : vector<16xf32>
        %max3A_466 = arith.maximumf %max3A_463, %max3A_464 : vector<16xf32>
        %max3A_467 = arith.maximumf %max3A_465, %max3A_466 : vector<16xf32>
        %max3A_468 = arith.maximumf %scan3A_238, %max3A_467 : vector<16xf32>
        %max3A_469 = arith.maximumf %bitcast3A_263, %bitcast3A_289 : vector<16xf32>
        %max3A_470 = arith.maximumf %bitcast3A_315, %bitcast3A_341 : vector<16xf32>
        %max3A_471 = arith.maximumf %bitcast3A_367, %bitcast3A_393 : vector<16xf32>
        %max3A_472 = arith.maximumf %bitcast3A_419, %bitcast3A_445 : vector<16xf32>
        %max3A_473 = arith.maximumf %max3A_469, %max3A_470 : vector<16xf32>
        %max3A_474 = arith.maximumf %max3A_471, %max3A_472 : vector<16xf32>
        %max3A_475 = arith.maximumf %max3A_473, %max3A_474 : vector<16xf32>
        %max3A_476 = arith.maximumf %scan3A_239, %max3A_475 : vector<16xf32>
        scf.yield %max3A_452, %max3A_460, %max3A_468, %max3A_476 : vector<16xf32>, vector<16xf32>, vector<16xf32>, vector<16xf32>
      }
      %scan3A_64 = arith.constant 13 : i32
      %scan3A_65 = arith.constant 0 : i32
      %scan3A_66 = arith.constant 12 : i32
      %scan3A_67 = arith.addi %scan3A_65, %scan3A_66 : i32
      %scan3A_68 = arith.constant 1 : i32
      %scan3A_69:4 = scf.for %scan3A_235 = %scan3A_65 to %scan3A_67 step %scan3A_68 iter_args(%scan3A_236 = %scan3A_63#0, %scan3A_237 = %scan3A_63#1, %scan3A_238 = %scan3A_63#2, %scan3A_239 = %scan3A_63#3) -> (vector<16xf32>, vector<16xf32>, vector<16xf32>, vector<16xf32>)  : i32 {
        %mul3A_240 = arith.constant 8 : i32
        %mul3A_241 = arith.muli %scan3A_235, %mul3A_240 : i32
        %add3A_242 = arith.constant 0 : i32
        %add3A_243 = arith.addi %mul3A_241, %add3A_242 : i32
        %get3A = arith.index_cast %add3A_243 : i32 to index
        %get3A_244 = arith.constant 0 : index
        %get3A_245 = tpu.vector_load %arg7[%get3A, %get3A_244] {strides = array<i32>} : memref<96x32xf32, #tpu.memory_space<vmem>>, vector<16xf32>,
        %bitcast3A = vector.bitcast %get3A_245 : vector<16xf32> to vector<16xi32>
        %shift_left3A = arith.constant 16 : i32
        %shift_left3A_246 = vector.broadcast %shift_left3A : i32 to vector<16xi32>
        %shift_left3A_247 = arith.shli %bitcast3A, %shift_left3A_246 : vector<16xi32>
        %bitcast3A_248 = vector.bitcast %shift_left3A_247 : vector<16xi32> to vector<16xf32>
        %and3A = arith.constant -65536 : i32
        %and3A_249 = vector.broadcast %and3A : i32 to vector<16xi32>
        %and3A_250 = arith.andi %bitcast3A, %and3A_249 : vector<16xi32>
        %bitcast3A_251 = vector.bitcast %and3A_250 : vector<16xi32> to vector<16xf32>
        %get3A_252 = arith.index_cast %add3A_243 : i32 to index
        %get3A_253 = arith.constant 16 : index
        %get3A_254 = tpu.vector_load %arg7[%get3A_252, %get3A_253] {strides = array<i32>} : memref<96x32xf32, #tpu.memory_space<vmem>>, vector<16xf32>,
        %bitcast3A_255 = vector.bitcast %get3A_254 : vector<16xf32> to vector<16xi32>
        %shift_left3A_256 = arith.constant 16 : i32
        %shift_left3A_257 = vector.broadcast %shift_left3A_256 : i32 to vector<16xi32>
        %shift_left3A_258 = arith.shli %bitcast3A_255, %shift_left3A_257 : vector<16xi32>
        %bitcast3A_259 = vector.bitcast %shift_left3A_258 : vector<16xi32> to vector<16xf32>
        %and3A_260 = arith.constant -65536 : i32
        %and3A_261 = vector.broadcast %and3A_260 : i32 to vector<16xi32>
        %and3A_262 = arith.andi %bitcast3A_255, %and3A_261 : vector<16xi32>
        %bitcast3A_263 = vector.bitcast %and3A_262 : vector<16xi32> to vector<16xf32>
        %add3A_264 = arith.constant 1 : i32
        %add3A_265 = arith.addi %mul3A_241, %add3A_264 : i32
        %get3A_266 = arith.index_cast %add3A_265 : i32 to index
        %get3A_267 = arith.constant 0 : index
        %get3A_268 = tpu.vector_load %arg7[%get3A_266, %get3A_267] {strides = array<i32>} : memref<96x32xf32, #tpu.memory_space<vmem>>, vector<16xf32>,
        %bitcast3A_269 = vector.bitcast %get3A_268 : vector<16xf32> to vector<16xi32>
        %shift_left3A_270 = arith.constant 16 : i32
        %shift_left3A_271 = vector.broadcast %shift_left3A_270 : i32 to vector<16xi32>
        %shift_left3A_272 = arith.shli %bitcast3A_269, %shift_left3A_271 : vector<16xi32>
        %bitcast3A_273 = vector.bitcast %shift_left3A_272 : vector<16xi32> to vector<16xf32>
        %and3A_274 = arith.constant -65536 : i32
        %and3A_275 = vector.broadcast %and3A_274 : i32 to vector<16xi32>
        %and3A_276 = arith.andi %bitcast3A_269, %and3A_275 : vector<16xi32>
        %bitcast3A_277 = vector.bitcast %and3A_276 : vector<16xi32> to vector<16xf32>
        %get3A_278 = arith.index_cast %add3A_265 : i32 to index
        %get3A_279 = arith.constant 16 : index
        %get3A_280 = tpu.vector_load %arg7[%get3A_278, %get3A_279] {strides = array<i32>} : memref<96x32xf32, #tpu.memory_space<vmem>>, vector<16xf32>,
        %bitcast3A_281 = vector.bitcast %get3A_280 : vector<16xf32> to vector<16xi32>
        %shift_left3A_282 = arith.constant 16 : i32
        %shift_left3A_283 = vector.broadcast %shift_left3A_282 : i32 to vector<16xi32>
        %shift_left3A_284 = arith.shli %bitcast3A_281, %shift_left3A_283 : vector<16xi32>
        %bitcast3A_285 = vector.bitcast %shift_left3A_284 : vector<16xi32> to vector<16xf32>
        %and3A_286 = arith.constant -65536 : i32
        %and3A_287 = vector.broadcast %and3A_286 : i32 to vector<16xi32>
        %and3A_288 = arith.andi %bitcast3A_281, %and3A_287 : vector<16xi32>
        %bitcast3A_289 = vector.bitcast %and3A_288 : vector<16xi32> to vector<16xf32>
        %add3A_290 = arith.constant 2 : i32
        %add3A_291 = arith.addi %mul3A_241, %add3A_290 : i32
        %get3A_292 = arith.index_cast %add3A_291 : i32 to index
        %get3A_293 = arith.constant 0 : index
        %get3A_294 = tpu.vector_load %arg7[%get3A_292, %get3A_293] {strides = array<i32>} : memref<96x32xf32, #tpu.memory_space<vmem>>, vector<16xf32>,
        %bitcast3A_295 = vector.bitcast %get3A_294 : vector<16xf32> to vector<16xi32>
        %shift_left3A_296 = arith.constant 16 : i32
        %shift_left3A_297 = vector.broadcast %shift_left3A_296 : i32 to vector<16xi32>
        %shift_left3A_298 = arith.shli %bitcast3A_295, %shift_left3A_297 : vector<16xi32>
        %bitcast3A_299 = vector.bitcast %shift_left3A_298 : vector<16xi32> to vector<16xf32>
        %and3A_300 = arith.constant -65536 : i32
        %and3A_301 = vector.broadcast %and3A_300 : i32 to vector<16xi32>
        %and3A_302 = arith.andi %bitcast3A_295, %and3A_301 : vector<16xi32>
        %bitcast3A_303 = vector.bitcast %and3A_302 : vector<16xi32> to vector<16xf32>
        %get3A_304 = arith.index_cast %add3A_291 : i32 to index
        %get3A_305 = arith.constant 16 : index
        %get3A_306 = tpu.vector_load %arg7[%get3A_304, %get3A_305] {strides = array<i32>} : memref<96x32xf32, #tpu.memory_space<vmem>>, vector<16xf32>,
        %bitcast3A_307 = vector.bitcast %get3A_306 : vector<16xf32> to vector<16xi32>
        %shift_left3A_308 = arith.constant 16 : i32
        %shift_left3A_309 = vector.broadcast %shift_left3A_308 : i32 to vector<16xi32>
        %shift_left3A_310 = arith.shli %bitcast3A_307, %shift_left3A_309 : vector<16xi32>
        %bitcast3A_311 = vector.bitcast %shift_left3A_310 : vector<16xi32> to vector<16xf32>
        %and3A_312 = arith.constant -65536 : i32
        %and3A_313 = vector.broadcast %and3A_312 : i32 to vector<16xi32>
        %and3A_314 = arith.andi %bitcast3A_307, %and3A_313 : vector<16xi32>
        %bitcast3A_315 = vector.bitcast %and3A_314 : vector<16xi32> to vector<16xf32>
        %add3A_316 = arith.constant 3 : i32
        %add3A_317 = arith.addi %mul3A_241, %add3A_316 : i32
        %get3A_318 = arith.index_cast %add3A_317 : i32 to index
        %get3A_319 = arith.constant 0 : index
        %get3A_320 = tpu.vector_load %arg7[%get3A_318, %get3A_319] {strides = array<i32>} : memref<96x32xf32, #tpu.memory_space<vmem>>, vector<16xf32>,
        %bitcast3A_321 = vector.bitcast %get3A_320 : vector<16xf32> to vector<16xi32>
        %shift_left3A_322 = arith.constant 16 : i32
        %shift_left3A_323 = vector.broadcast %shift_left3A_322 : i32 to vector<16xi32>
        %shift_left3A_324 = arith.shli %bitcast3A_321, %shift_left3A_323 : vector<16xi32>
        %bitcast3A_325 = vector.bitcast %shift_left3A_324 : vector<16xi32> to vector<16xf32>
        %and3A_326 = arith.constant -65536 : i32
        %and3A_327 = vector.broadcast %and3A_326 : i32 to vector<16xi32>
        %and3A_328 = arith.andi %bitcast3A_321, %and3A_327 : vector<16xi32>
        %bitcast3A_329 = vector.bitcast %and3A_328 : vector<16xi32> to vector<16xf32>
        %get3A_330 = arith.index_cast %add3A_317 : i32 to index
        %get3A_331 = arith.constant 16 : index
        %get3A_332 = tpu.vector_load %arg7[%get3A_330, %get3A_331] {strides = array<i32>} : memref<96x32xf32, #tpu.memory_space<vmem>>, vector<16xf32>,
        %bitcast3A_333 = vector.bitcast %get3A_332 : vector<16xf32> to vector<16xi32>
        %shift_left3A_334 = arith.constant 16 : i32
        %shift_left3A_335 = vector.broadcast %shift_left3A_334 : i32 to vector<16xi32>
        %shift_left3A_336 = arith.shli %bitcast3A_333, %shift_left3A_335 : vector<16xi32>
        %bitcast3A_337 = vector.bitcast %shift_left3A_336 : vector<16xi32> to vector<16xf32>
        %and3A_338 = arith.constant -65536 : i32
        %and3A_339 = vector.broadcast %and3A_338 : i32 to vector<16xi32>
        %and3A_340 = arith.andi %bitcast3A_333, %and3A_339 : vector<16xi32>
        %bitcast3A_341 = vector.bitcast %and3A_340 : vector<16xi32> to vector<16xf32>
        %add3A_342 = arith.constant 4 : i32
        %add3A_343 = arith.addi %mul3A_241, %add3A_342 : i32
        %get3A_344 = arith.index_cast %add3A_343 : i32 to index
        %get3A_345 = arith.constant 0 : index
        %get3A_346 = tpu.vector_load %arg7[%get3A_344, %get3A_345] {strides = array<i32>} : memref<96x32xf32, #tpu.memory_space<vmem>>, vector<16xf32>,
        %bitcast3A_347 = vector.bitcast %get3A_346 : vector<16xf32> to vector<16xi32>
        %shift_left3A_348 = arith.constant 16 : i32
        %shift_left3A_349 = vector.broadcast %shift_left3A_348 : i32 to vector<16xi32>
        %shift_left3A_350 = arith.shli %bitcast3A_347, %shift_left3A_349 : vector<16xi32>
        %bitcast3A_351 = vector.bitcast %shift_left3A_350 : vector<16xi32> to vector<16xf32>
        %and3A_352 = arith.constant -65536 : i32
        %and3A_353 = vector.broadcast %and3A_352 : i32 to vector<16xi32>
        %and3A_354 = arith.andi %bitcast3A_347, %and3A_353 : vector<16xi32>
        %bitcast3A_355 = vector.bitcast %and3A_354 : vector<16xi32> to vector<16xf32>
        %get3A_356 = arith.index_cast %add3A_343 : i32 to index
        %get3A_357 = arith.constant 16 : index
        %get3A_358 = tpu.vector_load %arg7[%get3A_356, %get3A_357] {strides = array<i32>} : memref<96x32xf32, #tpu.memory_space<vmem>>, vector<16xf32>,
        %bitcast3A_359 = vector.bitcast %get3A_358 : vector<16xf32> to vector<16xi32>
        %shift_left3A_360 = arith.constant 16 : i32
        %shift_left3A_361 = vector.broadcast %shift_left3A_360 : i32 to vector<16xi32>
        %shift_left3A_362 = arith.shli %bitcast3A_359, %shift_left3A_361 : vector<16xi32>
        %bitcast3A_363 = vector.bitcast %shift_left3A_362 : vector<16xi32> to vector<16xf32>
        %and3A_364 = arith.constant -65536 : i32
        %and3A_365 = vector.broadcast %and3A_364 : i32 to vector<16xi32>
        %and3A_366 = arith.andi %bitcast3A_359, %and3A_365 : vector<16xi32>
        %bitcast3A_367 = vector.bitcast %and3A_366 : vector<16xi32> to vector<16xf32>
        %add3A_368 = arith.constant 5 : i32
        %add3A_369 = arith.addi %mul3A_241, %add3A_368 : i32
        %get3A_370 = arith.index_cast %add3A_369 : i32 to index
        %get3A_371 = arith.constant 0 : index
        %get3A_372 = tpu.vector_load %arg7[%get3A_370, %get3A_371] {strides = array<i32>} : memref<96x32xf32, #tpu.memory_space<vmem>>, vector<16xf32>,
        %bitcast3A_373 = vector.bitcast %get3A_372 : vector<16xf32> to vector<16xi32>
        %shift_left3A_374 = arith.constant 16 : i32
        %shift_left3A_375 = vector.broadcast %shift_left3A_374 : i32 to vector<16xi32>
        %shift_left3A_376 = arith.shli %bitcast3A_373, %shift_left3A_375 : vector<16xi32>
        %bitcast3A_377 = vector.bitcast %shift_left3A_376 : vector<16xi32> to vector<16xf32>
        %and3A_378 = arith.constant -65536 : i32
        %and3A_379 = vector.broadcast %and3A_378 : i32 to vector<16xi32>
        %and3A_380 = arith.andi %bitcast3A_373, %and3A_379 : vector<16xi32>
        %bitcast3A_381 = vector.bitcast %and3A_380 : vector<16xi32> to vector<16xf32>
        %get3A_382 = arith.index_cast %add3A_369 : i32 to index
        %get3A_383 = arith.constant 16 : index
        %get3A_384 = tpu.vector_load %arg7[%get3A_382, %get3A_383] {strides = array<i32>} : memref<96x32xf32, #tpu.memory_space<vmem>>, vector<16xf32>,
        %bitcast3A_385 = vector.bitcast %get3A_384 : vector<16xf32> to vector<16xi32>
        %shift_left3A_386 = arith.constant 16 : i32
        %shift_left3A_387 = vector.broadcast %shift_left3A_386 : i32 to vector<16xi32>
        %shift_left3A_388 = arith.shli %bitcast3A_385, %shift_left3A_387 : vector<16xi32>
        %bitcast3A_389 = vector.bitcast %shift_left3A_388 : vector<16xi32> to vector<16xf32>
        %and3A_390 = arith.constant -65536 : i32
        %and3A_391 = vector.broadcast %and3A_390 : i32 to vector<16xi32>
        %and3A_392 = arith.andi %bitcast3A_385, %and3A_391 : vector<16xi32>
        %bitcast3A_393 = vector.bitcast %and3A_392 : vector<16xi32> to vector<16xf32>
        %add3A_394 = arith.constant 6 : i32
        %add3A_395 = arith.addi %mul3A_241, %add3A_394 : i32
        %get3A_396 = arith.index_cast %add3A_395 : i32 to index
        %get3A_397 = arith.constant 0 : index
        %get3A_398 = tpu.vector_load %arg7[%get3A_396, %get3A_397] {strides = array<i32>} : memref<96x32xf32, #tpu.memory_space<vmem>>, vector<16xf32>,
        %bitcast3A_399 = vector.bitcast %get3A_398 : vector<16xf32> to vector<16xi32>
        %shift_left3A_400 = arith.constant 16 : i32
        %shift_left3A_401 = vector.broadcast %shift_left3A_400 : i32 to vector<16xi32>
        %shift_left3A_402 = arith.shli %bitcast3A_399, %shift_left3A_401 : vector<16xi32>
        %bitcast3A_403 = vector.bitcast %shift_left3A_402 : vector<16xi32> to vector<16xf32>
        %and3A_404 = arith.constant -65536 : i32
        %and3A_405 = vector.broadcast %and3A_404 : i32 to vector<16xi32>
        %and3A_406 = arith.andi %bitcast3A_399, %and3A_405 : vector<16xi32>
        %bitcast3A_407 = vector.bitcast %and3A_406 : vector<16xi32> to vector<16xf32>
        %get3A_408 = arith.index_cast %add3A_395 : i32 to index
        %get3A_409 = arith.constant 16 : index
        %get3A_410 = tpu.vector_load %arg7[%get3A_408, %get3A_409] {strides = array<i32>} : memref<96x32xf32, #tpu.memory_space<vmem>>, vector<16xf32>,
        %bitcast3A_411 = vector.bitcast %get3A_410 : vector<16xf32> to vector<16xi32>
        %shift_left3A_412 = arith.constant 16 : i32
        %shift_left3A_413 = vector.broadcast %shift_left3A_412 : i32 to vector<16xi32>
        %shift_left3A_414 = arith.shli %bitcast3A_411, %shift_left3A_413 : vector<16xi32>
        %bitcast3A_415 = vector.bitcast %shift_left3A_414 : vector<16xi32> to vector<16xf32>
        %and3A_416 = arith.constant -65536 : i32
        %and3A_417 = vector.broadcast %and3A_416 : i32 to vector<16xi32>
        %and3A_418 = arith.andi %bitcast3A_411, %and3A_417 : vector<16xi32>
        %bitcast3A_419 = vector.bitcast %and3A_418 : vector<16xi32> to vector<16xf32>
        %add3A_420 = arith.constant 7 : i32
        %add3A_421 = arith.addi %mul3A_241, %add3A_420 : i32
        %get3A_422 = arith.index_cast %add3A_421 : i32 to index
        %get3A_423 = arith.constant 0 : index
        %get3A_424 = tpu.vector_load %arg7[%get3A_422, %get3A_423] {strides = array<i32>} : memref<96x32xf32, #tpu.memory_space<vmem>>, vector<16xf32>,
        %bitcast3A_425 = vector.bitcast %get3A_424 : vector<16xf32> to vector<16xi32>
        %shift_left3A_426 = arith.constant 16 : i32
        %shift_left3A_427 = vector.broadcast %shift_left3A_426 : i32 to vector<16xi32>
        %shift_left3A_428 = arith.shli %bitcast3A_425, %shift_left3A_427 : vector<16xi32>
        %bitcast3A_429 = vector.bitcast %shift_left3A_428 : vector<16xi32> to vector<16xf32>
        %and3A_430 = arith.constant -65536 : i32
        %and3A_431 = vector.broadcast %and3A_430 : i32 to vector<16xi32>
        %and3A_432 = arith.andi %bitcast3A_425, %and3A_431 : vector<16xi32>
        %bitcast3A_433 = vector.bitcast %and3A_432 : vector<16xi32> to vector<16xf32>
        %get3A_434 = arith.index_cast %add3A_421 : i32 to index
        %get3A_435 = arith.constant 16 : index
        %get3A_436 = tpu.vector_load %arg7[%get3A_434, %get3A_435] {strides = array<i32>} : memref<96x32xf32, #tpu.memory_space<vmem>>, vector<16xf32>,
        %bitcast3A_437 = vector.bitcast %get3A_436 : vector<16xf32> to vector<16xi32>
        %shift_left3A_438 = arith.constant 16 : i32
        %shift_left3A_439 = vector.broadcast %shift_left3A_438 : i32 to vector<16xi32>
        %shift_left3A_440 = arith.shli %bitcast3A_437, %shift_left3A_439 : vector<16xi32>
        %bitcast3A_441 = vector.bitcast %shift_left3A_440 : vector<16xi32> to vector<16xf32>
        %and3A_442 = arith.constant -65536 : i32
        %and3A_443 = vector.broadcast %and3A_442 : i32 to vector<16xi32>
        %and3A_444 = arith.andi %bitcast3A_437, %and3A_443 : vector<16xi32>
        %bitcast3A_445 = vector.bitcast %and3A_444 : vector<16xi32> to vector<16xf32>
        %max3A = arith.maximumf %bitcast3A_248, %bitcast3A_273 : vector<16xf32>
        %max3A_446 = arith.maximumf %bitcast3A_299, %bitcast3A_325 : vector<16xf32>
        %max3A_447 = arith.maximumf %bitcast3A_351, %bitcast3A_377 : vector<16xf32>
        %max3A_448 = arith.maximumf %bitcast3A_403, %bitcast3A_429 : vector<16xf32>
        %max3A_449 = arith.maximumf %max3A, %max3A_446 : vector<16xf32>
        %max3A_450 = arith.maximumf %max3A_447, %max3A_448 : vector<16xf32>
        %max3A_451 = arith.maximumf %max3A_449, %max3A_450 : vector<16xf32>
        %max3A_452 = arith.maximumf %scan3A_236, %max3A_451 : vector<16xf32>
        %max3A_453 = arith.maximumf %bitcast3A_251, %bitcast3A_277 : vector<16xf32>
        %max3A_454 = arith.maximumf %bitcast3A_303, %bitcast3A_329 : vector<16xf32>
        %max3A_455 = arith.maximumf %bitcast3A_355, %bitcast3A_381 : vector<16xf32>
        %max3A_456 = arith.maximumf %bitcast3A_407, %bitcast3A_433 : vector<16xf32>
        %max3A_457 = arith.maximumf %max3A_453, %max3A_454 : vector<16xf32>
        %max3A_458 = arith.maximumf %max3A_455, %max3A_456 : vector<16xf32>
        %max3A_459 = arith.maximumf %max3A_457, %max3A_458 : vector<16xf32>
        %max3A_460 = arith.maximumf %scan3A_237, %max3A_459 : vector<16xf32>
        %max3A_461 = arith.maximumf %bitcast3A_259, %bitcast3A_285 : vector<16xf32>
        %max3A_462 = arith.maximumf %bitcast3A_311, %bitcast3A_337 : vector<16xf32>
        %max3A_463 = arith.maximumf %bitcast3A_363, %bitcast3A_389 : vector<16xf32>
        %max3A_464 = arith.maximumf %bitcast3A_415, %bitcast3A_441 : vector<16xf32>
        %max3A_465 = arith.maximumf %max3A_461, %max3A_462 : vector<16xf32>
        %max3A_466 = arith.maximumf %max3A_463, %max3A_464 : vector<16xf32>
        %max3A_467 = arith.maximumf %max3A_465, %max3A_466 : vector<16xf32>
        %max3A_468 = arith.maximumf %scan3A_238, %max3A_467 : vector<16xf32>
        %max3A_469 = arith.maximumf %bitcast3A_263, %bitcast3A_289 : vector<16xf32>
        %max3A_470 = arith.maximumf %bitcast3A_315, %bitcast3A_341 : vector<16xf32>
        %max3A_471 = arith.maximumf %bitcast3A_367, %bitcast3A_393 : vector<16xf32>
        %max3A_472 = arith.maximumf %bitcast3A_419, %bitcast3A_445 : vector<16xf32>
        %max3A_473 = arith.maximumf %max3A_469, %max3A_470 : vector<16xf32>
        %max3A_474 = arith.maximumf %max3A_471, %max3A_472 : vector<16xf32>
        %max3A_475 = arith.maximumf %max3A_473, %max3A_474 : vector<16xf32>
        %max3A_476 = arith.maximumf %scan3A_239, %max3A_475 : vector<16xf32>
        scf.yield %max3A_452, %max3A_460, %max3A_468, %max3A_476 : vector<16xf32>, vector<16xf32>, vector<16xf32>, vector<16xf32>
      }
      %scan3A_70 = arith.constant 12 : i32
      %mul3A_71 = arith.constant 2.000000e+00 : f32
      %mul3A_72 = vector.broadcast %mul3A_71 : f32 to vector<16xf32>
      %mul3A_73 = arith.mulf %mul3A_72, %scan3A_69#0 : vector<16xf32>
      %exp3A = math.exp %mul3A_73 : vector<16xf32>
      %add3A_74 = arith.constant 1.000000e+00 : f32
      %add3A_75 = vector.broadcast %add3A_74 : f32 to vector<16xf32>
      %add3A_76 = arith.addf %exp3A, %add3A_75 : vector<16xf32>
      %div3A = arith.constant 2.000000e+00 : f32
      %div3A_77 = vector.broadcast %div3A : f32 to vector<16xf32>
      %div3A_78 = arith.divf %div3A_77, %add3A_76 : vector<16xf32>
      %sub3A = arith.constant 1.000000e+00 : f32
      %sub3A_79 = vector.broadcast %sub3A : f32 to vector<16xf32>
      %sub3A_80 = arith.subf %sub3A_79, %div3A_78 : vector<16xf32>
      %swap3A = arith.index_cast %add3A_24 : i32 to index
      %swap3A_81 = arith.constant 0 : index
      %swap3A_82 = tpu.vector_load %arg10[%swap3A, %swap3A_81] {strides = array<i32>} : memref<128x64xf32, #tpu.memory_space<vmem>>, vector<16xf32>,
      tpu.vector_store %arg10[%swap3A, %swap3A_81], %sub3A_80 {strides = array<i32>} : memref<128x64xf32, #tpu.memory_space<vmem>>, vector<16xf32>,
      %mul3A_83 = arith.constant 2.000000e+00 : f32
      %mul3A_84 = vector.broadcast %mul3A_83 : f32 to vector<16xf32>
      %mul3A_85 = arith.mulf %mul3A_84, %scan3A_69#1 : vector<16xf32>
      %exp3A_86 = math.exp %mul3A_85 : vector<16xf32>
      %add3A_87 = arith.constant 1.000000e+00 : f32
      %add3A_88 = vector.broadcast %add3A_87 : f32 to vector<16xf32>
      %add3A_89 = arith.addf %exp3A_86, %add3A_88 : vector<16xf32>
      %div3A_90 = arith.constant 2.000000e+00 : f32
      %div3A_91 = vector.broadcast %div3A_90 : f32 to vector<16xf32>
      %div3A_92 = arith.divf %div3A_91, %add3A_89 : vector<16xf32>
      %sub3A_93 = arith.constant 1.000000e+00 : f32
      %sub3A_94 = vector.broadcast %sub3A_93 : f32 to vector<16xf32>
      %sub3A_95 = arith.subf %sub3A_94, %div3A_92 : vector<16xf32>
      %swap3A_96 = arith.index_cast %add3A_24 : i32 to index
      %swap3A_97 = arith.constant 16 : index
      %swap3A_98 = tpu.vector_load %arg10[%swap3A_96, %swap3A_97] {strides = array<i32>} : memref<128x64xf32, #tpu.memory_space<vmem>>, vector<16xf32>,
      tpu.vector_store %arg10[%swap3A_96, %swap3A_97], %sub3A_95 {strides = array<i32>} : memref<128x64xf32, #tpu.memory_space<vmem>>, vector<16xf32>,
      %mul3A_99 = arith.constant 2.000000e+00 : f32
      %mul3A_100 = vector.broadcast %mul3A_99 : f32 to vector<16xf32>
      %mul3A_101 = arith.mulf %mul3A_100, %scan3A_69#2 : vector<16xf32>
      %exp3A_102 = math.exp %mul3A_101 : vector<16xf32>
      %add3A_103 = arith.constant 1.000000e+00 : f32
      %add3A_104 = vector.broadcast %add3A_103 : f32 to vector<16xf32>
      %add3A_105 = arith.addf %exp3A_102, %add3A_104 : vector<16xf32>
      %div3A_106 = arith.constant 2.000000e+00 : f32
      %div3A_107 = vector.broadcast %div3A_106 : f32 to vector<16xf32>
      %div3A_108 = arith.divf %div3A_107, %add3A_105 : vector<16xf32>
      %sub3A_109 = arith.constant 1.000000e+00 : f32
      %sub3A_110 = vector.broadcast %sub3A_109 : f32 to vector<16xf32>
      %sub3A_111 = arith.subf %sub3A_110, %div3A_108 : vector<16xf32>
      %swap3A_112 = arith.index_cast %add3A_24 : i32 to index
      %swap3A_113 = arith.constant 32 : index
      %swap3A_114 = tpu.vector_load %arg10[%swap3A_112, %swap3A_113] {strides = array<i32>} : memref<128x64xf32, #tpu.memory_space<vmem>>, vector<16xf32>,
      tpu.vector_store %arg10[%swap3A_112, %swap3A_113], %sub3A_111 {strides = array<i32>} : memref<128x64xf32, #tpu.memory_space<vmem>>, vector<16xf32>,
      %mul3A_115 = arith.constant 2.000000e+00 : f32
      %mul3A_116 = vector.broadcast %mul3A_115 : f32 to vector<16xf32>
      %mul3A_117 = arith.mulf %mul3A_116, %scan3A_69#3 : vector<16xf32>
      %exp3A_118 = math.exp %mul3A_117 : vector<16xf32>
      %add3A_119 = arith.constant 1.000000e+00 : f32
      %add3A_120 = vector.broadcast %add3A_119 : f32 to vector<16xf32>
      %add3A_121 = arith.addf %exp3A_118, %add3A_120 : vector<16xf32>
      %div3A_122 = arith.constant 2.000000e+00 : f32
      %div3A_123 = vector.broadcast %div3A_122 : f32 to vector<16xf32>
      %div3A_124 = arith.divf %div3A_123, %add3A_121 : vector<16xf32>
      %sub3A_125 = arith.constant 1.000000e+00 : f32
      %sub3A_126 = vector.broadcast %sub3A_125 : f32 to vector<16xf32>
      %sub3A_127 = arith.subf %sub3A_126, %div3A_124 : vector<16xf32>
      %swap3A_128 = arith.index_cast %add3A_24 : i32 to index
      %swap3A_129 = arith.constant 48 : index
      %swap3A_130 = tpu.vector_load %arg10[%swap3A_128, %swap3A_129] {strides = array<i32>} : memref<128x64xf32, #tpu.memory_space<vmem>>, vector<16xf32>,
      tpu.vector_store %arg10[%swap3A_128, %swap3A_129], %sub3A_127 {strides = array<i32>} : memref<128x64xf32, #tpu.memory_space<vmem>>, vector<16xf32>,
      %add3A_131 = arith.constant 2 : i32
      %add3A_132 = arith.addi %add3A_24, %add3A_131 : i32
      %lt3A = arith.constant 128 : i32
      %lt3A_133 = arith.cmpi slt, %add3A_132, %lt3A : i32
      %convert_element_type3A = arith.extui %lt3A_133 : i1 to i32
      %cond3A = arith.constant 0 : i32
      %cond3A_134 = arith.cmpi ne, %convert_element_type3A, %cond3A : i32
      scf.if %cond3A_134 {
        %add3A_235 = arith.constant 2 : i32
        %add3A_236 = arith.addi %add3A_24, %add3A_235 : i32
        %dma_start3A_237 = arith.constant 0 : i32
        %dma_start3A_238 = tpu.memref_slice %arg5[%add3A_236, %dma_start3A_237] : memref<128x200xi32, #tpu.memory_space<vmem>> -> memref<1x104xi32, #tpu.memory_space<vmem>>
        %dma_start3A_239 = tpu.memref_squeeze %dma_start3A_238 : memref<1x104xi32, #tpu.memory_space<vmem>> -> memref<104xi32, #tpu.memory_space<vmem>>
        %dma_start3A_240 = arith.constant 0 : i32
        %dma_start3A_241 = arith.constant 0 : i32
        %dma_start3A_242 = tpu.memref_slice %arg2[%dma_start3A_240, %dma_start3A_241] : memref<1015808x32xf32, #tpu.memory_space<hbm>> -> memref<1015808x32xf32, #tpu.memory_space<hbm>>
        tpu.enqueue_indirect_dma source(%dma_start3A_242 : memref<1015808x32xf32, #tpu.memory_space<hbm>>) target(%arg6 : memref<104x32xf32, #tpu.memory_space<vmem>>) offsets(%dma_start3A_239 : memref<104xi32, #tpu.memory_space<vmem>>) semaphore(%arg11 : memref<!tpu.dma_semaphore, #tpu.memory_space<semaphore_mem>>)
        %dma_start3A_243 = arith.constant 104 : i32
        %dma_start3A_244 = tpu.memref_slice %arg5[%add3A_236, %dma_start3A_243] : memref<128x200xi32, #tpu.memory_space<vmem>> -> memref<1x96xi32, #tpu.memory_space<vmem>>
        %dma_start3A_245 = tpu.memref_squeeze %dma_start3A_244 : memref<1x96xi32, #tpu.memory_space<vmem>> -> memref<96xi32, #tpu.memory_space<vmem>>
        %dma_start3A_246 = arith.constant 0 : i32
        %dma_start3A_247 = arith.constant 0 : i32
        %dma_start3A_248 = tpu.memref_slice %arg2[%dma_start3A_246, %dma_start3A_247] : memref<1015808x32xf32, #tpu.memory_space<hbm>> -> memref<1015808x32xf32, #tpu.memory_space<hbm>>
        tpu.enqueue_indirect_dma source(%dma_start3A_248 : memref<1015808x32xf32, #tpu.memory_space<hbm>>) target(%arg7 : memref<96x32xf32, #tpu.memory_space<vmem>>) offsets(%dma_start3A_245 : memref<96xi32, #tpu.memory_space<vmem>>) semaphore(%arg11 : memref<!tpu.dma_semaphore, #tpu.memory_space<semaphore_mem>>)
      } else {
      }
      %dma_wait3A_135 = arith.constant 0 : i32
      %dma_wait3A_136 = arith.constant 0 : i32
      %dma_wait3A_137 = tpu.memref_slice %arg5[%dma_wait3A_135, %dma_wait3A_136] : memref<128x200xi32, #tpu.memory_space<vmem>> -> memref<1x104xi32, #tpu.memory_space<vmem>>
      %dma_wait3A_138 = tpu.memref_squeeze %dma_wait3A_137 : memref<1x104xi32, #tpu.memory_space<vmem>> -> memref<104xi32, #tpu.memory_space<vmem>>
      %dma_wait3A_139 = arith.constant 0 : i32
      %dma_wait3A_140 = arith.constant 0 : i32
      %dma_wait3A_141 = tpu.memref_slice %arg2[%dma_wait3A_139, %dma_wait3A_140] : memref<1015808x32xf32, #tpu.memory_space<hbm>> -> memref<1015808x32xf32, #tpu.memory_space<hbm>>
      tpu.wait_indirect_dma semaphore(%arg12 : memref<!tpu.dma_semaphore, #tpu.memory_space<semaphore_mem>>) src(%dma_wait3A_141 : memref<1015808x32xf32, #tpu.memory_space<hbm>>) dst(%arg8 : memref<104x32xf32, #tpu.memory_space<vmem>>)
      %dma_wait3A_142 = arith.constant 0 : i32
      %dma_wait3A_143 = arith.constant 104 : i32
      %dma_wait3A_144 = tpu.memref_slice %arg5[%dma_wait3A_142, %dma_wait3A_143] : memref<128x200xi32, #tpu.memory_space<vmem>> -> memref<1x96xi32, #tpu.memory_space<vmem>>
      %dma_wait3A_145 = tpu.memref_squeeze %dma_wait3A_144 : memref<1x96xi32, #tpu.memory_space<vmem>> -> memref<96xi32, #tpu.memory_space<vmem>>
      %dma_wait3A_146 = arith.constant 0 : i32
      %dma_wait3A_147 = arith.constant 0 : i32
      %dma_wait3A_148 = tpu.memref_slice %arg2[%dma_wait3A_146, %dma_wait3A_147] : memref<1015808x32xf32, #tpu.memory_space<hbm>> -> memref<1015808x32xf32, #tpu.memory_space<hbm>>
      tpu.wait_indirect_dma semaphore(%arg12 : memref<!tpu.dma_semaphore, #tpu.memory_space<semaphore_mem>>) src(%dma_wait3A_148 : memref<1015808x32xf32, #tpu.memory_space<hbm>>) dst(%arg9 : memref<96x32xf32, #tpu.memory_space<vmem>>)
      %add3A_149 = arith.constant 1 : i32
      %add3A_150 = arith.addi %add3A_24, %add3A_149 : i32
      %broadcast_in_dim3A_151 = arith.constant 0xFF800000 : f32
      %broadcast_in_dim3A_152 = vector.broadcast %broadcast_in_dim3A_151 : f32 to vector<16xf32>
      %broadcast_in_dim3A_153 = arith.constant 0xFF800000 : f32
      %broadcast_in_dim3A_154 = vector.broadcast %broadcast_in_dim3A_153 : f32 to vector<16xf32>
      %broadcast_in_dim3A_155 = arith.constant 0xFF800000 : f32
      %broadcast_in_dim3A_156 = vector.broadcast %broadcast_in_dim3A_155 : f32 to vector<16xf32>
      %broadcast_in_dim3A_157 = arith.constant 0xFF800000 : f32
      %broadcast_in_dim3A_158 = vector.broadcast %broadcast_in_dim3A_157 : f32 to vector<16xf32>
      %scan3A_159 = arith.constant 0 : i32
      %scan3A_160 = arith.constant 13 : i32
      %scan3A_161 = arith.addi %scan3A_159, %scan3A_160 : i32
      %scan3A_162 = arith.constant 1 : i32
      %scan3A_163:4 = scf.for %scan3A_235 = %scan3A_159 to %scan3A_161 step %scan3A_162 iter_args(%scan3A_236 = %broadcast_in_dim3A_152, %scan3A_237 = %broadcast_in_dim3A_154, %scan3A_238 = %broadcast_in_dim3A_156, %scan3A_239 = %broadcast_in_dim3A_158) -> (vector<16xf32>, vector<16xf32>, vector<16xf32>, vector<16xf32>)  : i32 {
        %mul3A_240 = arith.constant 8 : i32
        %mul3A_241 = arith.muli %scan3A_235, %mul3A_240 : i32
        %add3A_242 = arith.constant 0 : i32
        %add3A_243 = arith.addi %mul3A_241, %add3A_242 : i32
        %get3A = arith.index_cast %add3A_243 : i32 to index
        %get3A_244 = arith.constant 0 : index
        %get3A_245 = tpu.vector_load %arg8[%get3A, %get3A_244] {strides = array<i32>} : memref<104x32xf32, #tpu.memory_space<vmem>>, vector<16xf32>,
        %bitcast3A = vector.bitcast %get3A_245 : vector<16xf32> to vector<16xi32>
        %shift_left3A = arith.constant 16 : i32
        %shift_left3A_246 = vector.broadcast %shift_left3A : i32 to vector<16xi32>
        %shift_left3A_247 = arith.shli %bitcast3A, %shift_left3A_246 : vector<16xi32>
        %bitcast3A_248 = vector.bitcast %shift_left3A_247 : vector<16xi32> to vector<16xf32>
        %and3A = arith.constant -65536 : i32
        %and3A_249 = vector.broadcast %and3A : i32 to vector<16xi32>
        %and3A_250 = arith.andi %bitcast3A, %and3A_249 : vector<16xi32>
        %bitcast3A_251 = vector.bitcast %and3A_250 : vector<16xi32> to vector<16xf32>
        %get3A_252 = arith.index_cast %add3A_243 : i32 to index
        %get3A_253 = arith.constant 16 : index
        %get3A_254 = tpu.vector_load %arg8[%get3A_252, %get3A_253] {strides = array<i32>} : memref<104x32xf32, #tpu.memory_space<vmem>>, vector<16xf32>,
        %bitcast3A_255 = vector.bitcast %get3A_254 : vector<16xf32> to vector<16xi32>
        %shift_left3A_256 = arith.constant 16 : i32
        %shift_left3A_257 = vector.broadcast %shift_left3A_256 : i32 to vector<16xi32>
        %shift_left3A_258 = arith.shli %bitcast3A_255, %shift_left3A_257 : vector<16xi32>
        %bitcast3A_259 = vector.bitcast %shift_left3A_258 : vector<16xi32> to vector<16xf32>
        %and3A_260 = arith.constant -65536 : i32
        %and3A_261 = vector.broadcast %and3A_260 : i32 to vector<16xi32>
        %and3A_262 = arith.andi %bitcast3A_255, %and3A_261 : vector<16xi32>
        %bitcast3A_263 = vector.bitcast %and3A_262 : vector<16xi32> to vector<16xf32>
        %add3A_264 = arith.constant 1 : i32
        %add3A_265 = arith.addi %mul3A_241, %add3A_264 : i32
        %get3A_266 = arith.index_cast %add3A_265 : i32 to index
        %get3A_267 = arith.constant 0 : index
        %get3A_268 = tpu.vector_load %arg8[%get3A_266, %get3A_267] {strides = array<i32>} : memref<104x32xf32, #tpu.memory_space<vmem>>, vector<16xf32>,
        %bitcast3A_269 = vector.bitcast %get3A_268 : vector<16xf32> to vector<16xi32>
        %shift_left3A_270 = arith.constant 16 : i32
        %shift_left3A_271 = vector.broadcast %shift_left3A_270 : i32 to vector<16xi32>
        %shift_left3A_272 = arith.shli %bitcast3A_269, %shift_left3A_271 : vector<16xi32>
        %bitcast3A_273 = vector.bitcast %shift_left3A_272 : vector<16xi32> to vector<16xf32>
        %and3A_274 = arith.constant -65536 : i32
        %and3A_275 = vector.broadcast %and3A_274 : i32 to vector<16xi32>
        %and3A_276 = arith.andi %bitcast3A_269, %and3A_275 : vector<16xi32>
        %bitcast3A_277 = vector.bitcast %and3A_276 : vector<16xi32> to vector<16xf32>
        %get3A_278 = arith.index_cast %add3A_265 : i32 to index
        %get3A_279 = arith.constant 16 : index
        %get3A_280 = tpu.vector_load %arg8[%get3A_278, %get3A_279] {strides = array<i32>} : memref<104x32xf32, #tpu.memory_space<vmem>>, vector<16xf32>,
        %bitcast3A_281 = vector.bitcast %get3A_280 : vector<16xf32> to vector<16xi32>
        %shift_left3A_282 = arith.constant 16 : i32
        %shift_left3A_283 = vector.broadcast %shift_left3A_282 : i32 to vector<16xi32>
        %shift_left3A_284 = arith.shli %bitcast3A_281, %shift_left3A_283 : vector<16xi32>
        %bitcast3A_285 = vector.bitcast %shift_left3A_284 : vector<16xi32> to vector<16xf32>
        %and3A_286 = arith.constant -65536 : i32
        %and3A_287 = vector.broadcast %and3A_286 : i32 to vector<16xi32>
        %and3A_288 = arith.andi %bitcast3A_281, %and3A_287 : vector<16xi32>
        %bitcast3A_289 = vector.bitcast %and3A_288 : vector<16xi32> to vector<16xf32>
        %add3A_290 = arith.constant 2 : i32
        %add3A_291 = arith.addi %mul3A_241, %add3A_290 : i32
        %get3A_292 = arith.index_cast %add3A_291 : i32 to index
        %get3A_293 = arith.constant 0 : index
        %get3A_294 = tpu.vector_load %arg8[%get3A_292, %get3A_293] {strides = array<i32>} : memref<104x32xf32, #tpu.memory_space<vmem>>, vector<16xf32>,
        %bitcast3A_295 = vector.bitcast %get3A_294 : vector<16xf32> to vector<16xi32>
        %shift_left3A_296 = arith.constant 16 : i32
        %shift_left3A_297 = vector.broadcast %shift_left3A_296 : i32 to vector<16xi32>
        %shift_left3A_298 = arith.shli %bitcast3A_295, %shift_left3A_297 : vector<16xi32>
        %bitcast3A_299 = vector.bitcast %shift_left3A_298 : vector<16xi32> to vector<16xf32>
        %and3A_300 = arith.constant -65536 : i32
        %and3A_301 = vector.broadcast %and3A_300 : i32 to vector<16xi32>
        %and3A_302 = arith.andi %bitcast3A_295, %and3A_301 : vector<16xi32>
        %bitcast3A_303 = vector.bitcast %and3A_302 : vector<16xi32> to vector<16xf32>
        %get3A_304 = arith.index_cast %add3A_291 : i32 to index
        %get3A_305 = arith.constant 16 : index
        %get3A_306 = tpu.vector_load %arg8[%get3A_304, %get3A_305] {strides = array<i32>} : memref<104x32xf32, #tpu.memory_space<vmem>>, vector<16xf32>,
        %bitcast3A_307 = vector.bitcast %get3A_306 : vector<16xf32> to vector<16xi32>
        %shift_left3A_308 = arith.constant 16 : i32
        %shift_left3A_309 = vector.broadcast %shift_left3A_308 : i32 to vector<16xi32>
        %shift_left3A_310 = arith.shli %bitcast3A_307, %shift_left3A_309 : vector<16xi32>
        %bitcast3A_311 = vector.bitcast %shift_left3A_310 : vector<16xi32> to vector<16xf32>
        %and3A_312 = arith.constant -65536 : i32
        %and3A_313 = vector.broadcast %and3A_312 : i32 to vector<16xi32>
        %and3A_314 = arith.andi %bitcast3A_307, %and3A_313 : vector<16xi32>
        %bitcast3A_315 = vector.bitcast %and3A_314 : vector<16xi32> to vector<16xf32>
        %add3A_316 = arith.constant 3 : i32
        %add3A_317 = arith.addi %mul3A_241, %add3A_316 : i32
        %get3A_318 = arith.index_cast %add3A_317 : i32 to index
        %get3A_319 = arith.constant 0 : index
        %get3A_320 = tpu.vector_load %arg8[%get3A_318, %get3A_319] {strides = array<i32>} : memref<104x32xf32, #tpu.memory_space<vmem>>, vector<16xf32>,
        %bitcast3A_321 = vector.bitcast %get3A_320 : vector<16xf32> to vector<16xi32>
        %shift_left3A_322 = arith.constant 16 : i32
        %shift_left3A_323 = vector.broadcast %shift_left3A_322 : i32 to vector<16xi32>
        %shift_left3A_324 = arith.shli %bitcast3A_321, %shift_left3A_323 : vector<16xi32>
        %bitcast3A_325 = vector.bitcast %shift_left3A_324 : vector<16xi32> to vector<16xf32>
        %and3A_326 = arith.constant -65536 : i32
        %and3A_327 = vector.broadcast %and3A_326 : i32 to vector<16xi32>
        %and3A_328 = arith.andi %bitcast3A_321, %and3A_327 : vector<16xi32>
        %bitcast3A_329 = vector.bitcast %and3A_328 : vector<16xi32> to vector<16xf32>
        %get3A_330 = arith.index_cast %add3A_317 : i32 to index
        %get3A_331 = arith.constant 16 : index
        %get3A_332 = tpu.vector_load %arg8[%get3A_330, %get3A_331] {strides = array<i32>} : memref<104x32xf32, #tpu.memory_space<vmem>>, vector<16xf32>,
        %bitcast3A_333 = vector.bitcast %get3A_332 : vector<16xf32> to vector<16xi32>
        %shift_left3A_334 = arith.constant 16 : i32
        %shift_left3A_335 = vector.broadcast %shift_left3A_334 : i32 to vector<16xi32>
        %shift_left3A_336 = arith.shli %bitcast3A_333, %shift_left3A_335 : vector<16xi32>
        %bitcast3A_337 = vector.bitcast %shift_left3A_336 : vector<16xi32> to vector<16xf32>
        %and3A_338 = arith.constant -65536 : i32
        %and3A_339 = vector.broadcast %and3A_338 : i32 to vector<16xi32>
        %and3A_340 = arith.andi %bitcast3A_333, %and3A_339 : vector<16xi32>
        %bitcast3A_341 = vector.bitcast %and3A_340 : vector<16xi32> to vector<16xf32>
        %add3A_342 = arith.constant 4 : i32
        %add3A_343 = arith.addi %mul3A_241, %add3A_342 : i32
        %get3A_344 = arith.index_cast %add3A_343 : i32 to index
        %get3A_345 = arith.constant 0 : index
        %get3A_346 = tpu.vector_load %arg8[%get3A_344, %get3A_345] {strides = array<i32>} : memref<104x32xf32, #tpu.memory_space<vmem>>, vector<16xf32>,
        %bitcast3A_347 = vector.bitcast %get3A_346 : vector<16xf32> to vector<16xi32>
        %shift_left3A_348 = arith.constant 16 : i32
        %shift_left3A_349 = vector.broadcast %shift_left3A_348 : i32 to vector<16xi32>
        %shift_left3A_350 = arith.shli %bitcast3A_347, %shift_left3A_349 : vector<16xi32>
        %bitcast3A_351 = vector.bitcast %shift_left3A_350 : vector<16xi32> to vector<16xf32>
        %and3A_352 = arith.constant -65536 : i32
        %and3A_353 = vector.broadcast %and3A_352 : i32 to vector<16xi32>
        %and3A_354 = arith.andi %bitcast3A_347, %and3A_353 : vector<16xi32>
        %bitcast3A_355 = vector.bitcast %and3A_354 : vector<16xi32> to vector<16xf32>
        %get3A_356 = arith.index_cast %add3A_343 : i32 to index
        %get3A_357 = arith.constant 16 : index
        %get3A_358 = tpu.vector_load %arg8[%get3A_356, %get3A_357] {strides = array<i32>} : memref<104x32xf32, #tpu.memory_space<vmem>>, vector<16xf32>,
        %bitcast3A_359 = vector.bitcast %get3A_358 : vector<16xf32> to vector<16xi32>
        %shift_left3A_360 = arith.constant 16 : i32
        %shift_left3A_361 = vector.broadcast %shift_left3A_360 : i32 to vector<16xi32>
        %shift_left3A_362 = arith.shli %bitcast3A_359, %shift_left3A_361 : vector<16xi32>
        %bitcast3A_363 = vector.bitcast %shift_left3A_362 : vector<16xi32> to vector<16xf32>
        %and3A_364 = arith.constant -65536 : i32
        %and3A_365 = vector.broadcast %and3A_364 : i32 to vector<16xi32>
        %and3A_366 = arith.andi %bitcast3A_359, %and3A_365 : vector<16xi32>
        %bitcast3A_367 = vector.bitcast %and3A_366 : vector<16xi32> to vector<16xf32>
        %add3A_368 = arith.constant 5 : i32
        %add3A_369 = arith.addi %mul3A_241, %add3A_368 : i32
        %get3A_370 = arith.index_cast %add3A_369 : i32 to index
        %get3A_371 = arith.constant 0 : index
        %get3A_372 = tpu.vector_load %arg8[%get3A_370, %get3A_371] {strides = array<i32>} : memref<104x32xf32, #tpu.memory_space<vmem>>, vector<16xf32>,
        %bitcast3A_373 = vector.bitcast %get3A_372 : vector<16xf32> to vector<16xi32>
        %shift_left3A_374 = arith.constant 16 : i32
        %shift_left3A_375 = vector.broadcast %shift_left3A_374 : i32 to vector<16xi32>
        %shift_left3A_376 = arith.shli %bitcast3A_373, %shift_left3A_375 : vector<16xi32>
        %bitcast3A_377 = vector.bitcast %shift_left3A_376 : vector<16xi32> to vector<16xf32>
        %and3A_378 = arith.constant -65536 : i32
        %and3A_379 = vector.broadcast %and3A_378 : i32 to vector<16xi32>
        %and3A_380 = arith.andi %bitcast3A_373, %and3A_379 : vector<16xi32>
        %bitcast3A_381 = vector.bitcast %and3A_380 : vector<16xi32> to vector<16xf32>
        %get3A_382 = arith.index_cast %add3A_369 : i32 to index
        %get3A_383 = arith.constant 16 : index
        %get3A_384 = tpu.vector_load %arg8[%get3A_382, %get3A_383] {strides = array<i32>} : memref<104x32xf32, #tpu.memory_space<vmem>>, vector<16xf32>,
        %bitcast3A_385 = vector.bitcast %get3A_384 : vector<16xf32> to vector<16xi32>
        %shift_left3A_386 = arith.constant 16 : i32
        %shift_left3A_387 = vector.broadcast %shift_left3A_386 : i32 to vector<16xi32>
        %shift_left3A_388 = arith.shli %bitcast3A_385, %shift_left3A_387 : vector<16xi32>
        %bitcast3A_389 = vector.bitcast %shift_left3A_388 : vector<16xi32> to vector<16xf32>
        %and3A_390 = arith.constant -65536 : i32
        %and3A_391 = vector.broadcast %and3A_390 : i32 to vector<16xi32>
        %and3A_392 = arith.andi %bitcast3A_385, %and3A_391 : vector<16xi32>
        %bitcast3A_393 = vector.bitcast %and3A_392 : vector<16xi32> to vector<16xf32>
        %add3A_394 = arith.constant 6 : i32
        %add3A_395 = arith.addi %mul3A_241, %add3A_394 : i32
        %get3A_396 = arith.index_cast %add3A_395 : i32 to index
        %get3A_397 = arith.constant 0 : index
        %get3A_398 = tpu.vector_load %arg8[%get3A_396, %get3A_397] {strides = array<i32>} : memref<104x32xf32, #tpu.memory_space<vmem>>, vector<16xf32>,
        %bitcast3A_399 = vector.bitcast %get3A_398 : vector<16xf32> to vector<16xi32>
        %shift_left3A_400 = arith.constant 16 : i32
        %shift_left3A_401 = vector.broadcast %shift_left3A_400 : i32 to vector<16xi32>
        %shift_left3A_402 = arith.shli %bitcast3A_399, %shift_left3A_401 : vector<16xi32>
        %bitcast3A_403 = vector.bitcast %shift_left3A_402 : vector<16xi32> to vector<16xf32>
        %and3A_404 = arith.constant -65536 : i32
        %and3A_405 = vector.broadcast %and3A_404 : i32 to vector<16xi32>
        %and3A_406 = arith.andi %bitcast3A_399, %and3A_405 : vector<16xi32>
        %bitcast3A_407 = vector.bitcast %and3A_406 : vector<16xi32> to vector<16xf32>
        %get3A_408 = arith.index_cast %add3A_395 : i32 to index
        %get3A_409 = arith.constant 16 : index
        %get3A_410 = tpu.vector_load %arg8[%get3A_408, %get3A_409] {strides = array<i32>} : memref<104x32xf32, #tpu.memory_space<vmem>>, vector<16xf32>,
        %bitcast3A_411 = vector.bitcast %get3A_410 : vector<16xf32> to vector<16xi32>
        %shift_left3A_412 = arith.constant 16 : i32
        %shift_left3A_413 = vector.broadcast %shift_left3A_412 : i32 to vector<16xi32>
        %shift_left3A_414 = arith.shli %bitcast3A_411, %shift_left3A_413 : vector<16xi32>
        %bitcast3A_415 = vector.bitcast %shift_left3A_414 : vector<16xi32> to vector<16xf32>
        %and3A_416 = arith.constant -65536 : i32
        %and3A_417 = vector.broadcast %and3A_416 : i32 to vector<16xi32>
        %and3A_418 = arith.andi %bitcast3A_411, %and3A_417 : vector<16xi32>
        %bitcast3A_419 = vector.bitcast %and3A_418 : vector<16xi32> to vector<16xf32>
        %add3A_420 = arith.constant 7 : i32
        %add3A_421 = arith.addi %mul3A_241, %add3A_420 : i32
        %get3A_422 = arith.index_cast %add3A_421 : i32 to index
        %get3A_423 = arith.constant 0 : index
        %get3A_424 = tpu.vector_load %arg8[%get3A_422, %get3A_423] {strides = array<i32>} : memref<104x32xf32, #tpu.memory_space<vmem>>, vector<16xf32>,
        %bitcast3A_425 = vector.bitcast %get3A_424 : vector<16xf32> to vector<16xi32>
        %shift_left3A_426 = arith.constant 16 : i32
        %shift_left3A_427 = vector.broadcast %shift_left3A_426 : i32 to vector<16xi32>
        %shift_left3A_428 = arith.shli %bitcast3A_425, %shift_left3A_427 : vector<16xi32>
        %bitcast3A_429 = vector.bitcast %shift_left3A_428 : vector<16xi32> to vector<16xf32>
        %and3A_430 = arith.constant -65536 : i32
        %and3A_431 = vector.broadcast %and3A_430 : i32 to vector<16xi32>
        %and3A_432 = arith.andi %bitcast3A_425, %and3A_431 : vector<16xi32>
        %bitcast3A_433 = vector.bitcast %and3A_432 : vector<16xi32> to vector<16xf32>
        %get3A_434 = arith.index_cast %add3A_421 : i32 to index
        %get3A_435 = arith.constant 16 : index
        %get3A_436 = tpu.vector_load %arg8[%get3A_434, %get3A_435] {strides = array<i32>} : memref<104x32xf32, #tpu.memory_space<vmem>>, vector<16xf32>,
        %bitcast3A_437 = vector.bitcast %get3A_436 : vector<16xf32> to vector<16xi32>
        %shift_left3A_438 = arith.constant 16 : i32
        %shift_left3A_439 = vector.broadcast %shift_left3A_438 : i32 to vector<16xi32>
        %shift_left3A_440 = arith.shli %bitcast3A_437, %shift_left3A_439 : vector<16xi32>
        %bitcast3A_441 = vector.bitcast %shift_left3A_440 : vector<16xi32> to vector<16xf32>
        %and3A_442 = arith.constant -65536 : i32
        %and3A_443 = vector.broadcast %and3A_442 : i32 to vector<16xi32>
        %and3A_444 = arith.andi %bitcast3A_437, %and3A_443 : vector<16xi32>
        %bitcast3A_445 = vector.bitcast %and3A_444 : vector<16xi32> to vector<16xf32>
        %max3A = arith.maximumf %bitcast3A_248, %bitcast3A_273 : vector<16xf32>
        %max3A_446 = arith.maximumf %bitcast3A_299, %bitcast3A_325 : vector<16xf32>
        %max3A_447 = arith.maximumf %bitcast3A_351, %bitcast3A_377 : vector<16xf32>
        %max3A_448 = arith.maximumf %bitcast3A_403, %bitcast3A_429 : vector<16xf32>
        %max3A_449 = arith.maximumf %max3A, %max3A_446 : vector<16xf32>
        %max3A_450 = arith.maximumf %max3A_447, %max3A_448 : vector<16xf32>
        %max3A_451 = arith.maximumf %max3A_449, %max3A_450 : vector<16xf32>
        %max3A_452 = arith.maximumf %scan3A_236, %max3A_451 : vector<16xf32>
        %max3A_453 = arith.maximumf %bitcast3A_251, %bitcast3A_277 : vector<16xf32>
        %max3A_454 = arith.maximumf %bitcast3A_303, %bitcast3A_329 : vector<16xf32>
        %max3A_455 = arith.maximumf %bitcast3A_355, %bitcast3A_381 : vector<16xf32>
        %max3A_456 = arith.maximumf %bitcast3A_407, %bitcast3A_433 : vector<16xf32>
        %max3A_457 = arith.maximumf %max3A_453, %max3A_454 : vector<16xf32>
        %max3A_458 = arith.maximumf %max3A_455, %max3A_456 : vector<16xf32>
        %max3A_459 = arith.maximumf %max3A_457, %max3A_458 : vector<16xf32>
        %max3A_460 = arith.maximumf %scan3A_237, %max3A_459 : vector<16xf32>
        %max3A_461 = arith.maximumf %bitcast3A_259, %bitcast3A_285 : vector<16xf32>
        %max3A_462 = arith.maximumf %bitcast3A_311, %bitcast3A_337 : vector<16xf32>
        %max3A_463 = arith.maximumf %bitcast3A_363, %bitcast3A_389 : vector<16xf32>
        %max3A_464 = arith.maximumf %bitcast3A_415, %bitcast3A_441 : vector<16xf32>
        %max3A_465 = arith.maximumf %max3A_461, %max3A_462 : vector<16xf32>
        %max3A_466 = arith.maximumf %max3A_463, %max3A_464 : vector<16xf32>
        %max3A_467 = arith.maximumf %max3A_465, %max3A_466 : vector<16xf32>
        %max3A_468 = arith.maximumf %scan3A_238, %max3A_467 : vector<16xf32>
        %max3A_469 = arith.maximumf %bitcast3A_263, %bitcast3A_289 : vector<16xf32>
        %max3A_470 = arith.maximumf %bitcast3A_315, %bitcast3A_341 : vector<16xf32>
        %max3A_471 = arith.maximumf %bitcast3A_367, %bitcast3A_393 : vector<16xf32>
        %max3A_472 = arith.maximumf %bitcast3A_419, %bitcast3A_445 : vector<16xf32>
        %max3A_473 = arith.maximumf %max3A_469, %max3A_470 : vector<16xf32>
        %max3A_474 = arith.maximumf %max3A_471, %max3A_472 : vector<16xf32>
        %max3A_475 = arith.maximumf %max3A_473, %max3A_474 : vector<16xf32>
        %max3A_476 = arith.maximumf %scan3A_239, %max3A_475 : vector<16xf32>
        scf.yield %max3A_452, %max3A_460, %max3A_468, %max3A_476 : vector<16xf32>, vector<16xf32>, vector<16xf32>, vector<16xf32>
      }
      %scan3A_164 = arith.constant 13 : i32
      %scan3A_165 = arith.constant 0 : i32
      %scan3A_166 = arith.constant 12 : i32
      %scan3A_167 = arith.addi %scan3A_165, %scan3A_166 : i32
      %scan3A_168 = arith.constant 1 : i32
      %scan3A_169:4 = scf.for %scan3A_235 = %scan3A_165 to %scan3A_167 step %scan3A_168 iter_args(%scan3A_236 = %scan3A_163#0, %scan3A_237 = %scan3A_163#1, %scan3A_238 = %scan3A_163#2, %scan3A_239 = %scan3A_163#3) -> (vector<16xf32>, vector<16xf32>, vector<16xf32>, vector<16xf32>)  : i32 {
        %mul3A_240 = arith.constant 8 : i32
        %mul3A_241 = arith.muli %scan3A_235, %mul3A_240 : i32
        %add3A_242 = arith.constant 0 : i32
        %add3A_243 = arith.addi %mul3A_241, %add3A_242 : i32
        %get3A = arith.index_cast %add3A_243 : i32 to index
        %get3A_244 = arith.constant 0 : index
        %get3A_245 = tpu.vector_load %arg9[%get3A, %get3A_244] {strides = array<i32>} : memref<96x32xf32, #tpu.memory_space<vmem>>, vector<16xf32>,
        %bitcast3A = vector.bitcast %get3A_245 : vector<16xf32> to vector<16xi32>
        %shift_left3A = arith.constant 16 : i32
        %shift_left3A_246 = vector.broadcast %shift_left3A : i32 to vector<16xi32>
        %shift_left3A_247 = arith.shli %bitcast3A, %shift_left3A_246 : vector<16xi32>
        %bitcast3A_248 = vector.bitcast %shift_left3A_247 : vector<16xi32> to vector<16xf32>
        %and3A = arith.constant -65536 : i32
        %and3A_249 = vector.broadcast %and3A : i32 to vector<16xi32>
        %and3A_250 = arith.andi %bitcast3A, %and3A_249 : vector<16xi32>
        %bitcast3A_251 = vector.bitcast %and3A_250 : vector<16xi32> to vector<16xf32>
        %get3A_252 = arith.index_cast %add3A_243 : i32 to index
        %get3A_253 = arith.constant 16 : index
        %get3A_254 = tpu.vector_load %arg9[%get3A_252, %get3A_253] {strides = array<i32>} : memref<96x32xf32, #tpu.memory_space<vmem>>, vector<16xf32>,
        %bitcast3A_255 = vector.bitcast %get3A_254 : vector<16xf32> to vector<16xi32>
        %shift_left3A_256 = arith.constant 16 : i32
        %shift_left3A_257 = vector.broadcast %shift_left3A_256 : i32 to vector<16xi32>
        %shift_left3A_258 = arith.shli %bitcast3A_255, %shift_left3A_257 : vector<16xi32>
        %bitcast3A_259 = vector.bitcast %shift_left3A_258 : vector<16xi32> to vector<16xf32>
        %and3A_260 = arith.constant -65536 : i32
        %and3A_261 = vector.broadcast %and3A_260 : i32 to vector<16xi32>
        %and3A_262 = arith.andi %bitcast3A_255, %and3A_261 : vector<16xi32>
        %bitcast3A_263 = vector.bitcast %and3A_262 : vector<16xi32> to vector<16xf32>
        %add3A_264 = arith.constant 1 : i32
        %add3A_265 = arith.addi %mul3A_241, %add3A_264 : i32
        %get3A_266 = arith.index_cast %add3A_265 : i32 to index
        %get3A_267 = arith.constant 0 : index
        %get3A_268 = tpu.vector_load %arg9[%get3A_266, %get3A_267] {strides = array<i32>} : memref<96x32xf32, #tpu.memory_space<vmem>>, vector<16xf32>,
        %bitcast3A_269 = vector.bitcast %get3A_268 : vector<16xf32> to vector<16xi32>
        %shift_left3A_270 = arith.constant 16 : i32
        %shift_left3A_271 = vector.broadcast %shift_left3A_270 : i32 to vector<16xi32>
        %shift_left3A_272 = arith.shli %bitcast3A_269, %shift_left3A_271 : vector<16xi32>
        %bitcast3A_273 = vector.bitcast %shift_left3A_272 : vector<16xi32> to vector<16xf32>
        %and3A_274 = arith.constant -65536 : i32
        %and3A_275 = vector.broadcast %and3A_274 : i32 to vector<16xi32>
        %and3A_276 = arith.andi %bitcast3A_269, %and3A_275 : vector<16xi32>
        %bitcast3A_277 = vector.bitcast %and3A_276 : vector<16xi32> to vector<16xf32>
        %get3A_278 = arith.index_cast %add3A_265 : i32 to index
        %get3A_279 = arith.constant 16 : index
        %get3A_280 = tpu.vector_load %arg9[%get3A_278, %get3A_279] {strides = array<i32>} : memref<96x32xf32, #tpu.memory_space<vmem>>, vector<16xf32>,
        %bitcast3A_281 = vector.bitcast %get3A_280 : vector<16xf32> to vector<16xi32>
        %shift_left3A_282 = arith.constant 16 : i32
        %shift_left3A_283 = vector.broadcast %shift_left3A_282 : i32 to vector<16xi32>
        %shift_left3A_284 = arith.shli %bitcast3A_281, %shift_left3A_283 : vector<16xi32>
        %bitcast3A_285 = vector.bitcast %shift_left3A_284 : vector<16xi32> to vector<16xf32>
        %and3A_286 = arith.constant -65536 : i32
        %and3A_287 = vector.broadcast %and3A_286 : i32 to vector<16xi32>
        %and3A_288 = arith.andi %bitcast3A_281, %and3A_287 : vector<16xi32>
        %bitcast3A_289 = vector.bitcast %and3A_288 : vector<16xi32> to vector<16xf32>
        %add3A_290 = arith.constant 2 : i32
        %add3A_291 = arith.addi %mul3A_241, %add3A_290 : i32
        %get3A_292 = arith.index_cast %add3A_291 : i32 to index
        %get3A_293 = arith.constant 0 : index
        %get3A_294 = tpu.vector_load %arg9[%get3A_292, %get3A_293] {strides = array<i32>} : memref<96x32xf32, #tpu.memory_space<vmem>>, vector<16xf32>,
        %bitcast3A_295 = vector.bitcast %get3A_294 : vector<16xf32> to vector<16xi32>
        %shift_left3A_296 = arith.constant 16 : i32
        %shift_left3A_297 = vector.broadcast %shift_left3A_296 : i32 to vector<16xi32>
        %shift_left3A_298 = arith.shli %bitcast3A_295, %shift_left3A_297 : vector<16xi32>
        %bitcast3A_299 = vector.bitcast %shift_left3A_298 : vector<16xi32> to vector<16xf32>
        %and3A_300 = arith.constant -65536 : i32
        %and3A_301 = vector.broadcast %and3A_300 : i32 to vector<16xi32>
        %and3A_302 = arith.andi %bitcast3A_295, %and3A_301 : vector<16xi32>
        %bitcast3A_303 = vector.bitcast %and3A_302 : vector<16xi32> to vector<16xf32>
        %get3A_304 = arith.index_cast %add3A_291 : i32 to index
        %get3A_305 = arith.constant 16 : index
        %get3A_306 = tpu.vector_load %arg9[%get3A_304, %get3A_305] {strides = array<i32>} : memref<96x32xf32, #tpu.memory_space<vmem>>, vector<16xf32>,
        %bitcast3A_307 = vector.bitcast %get3A_306 : vector<16xf32> to vector<16xi32>
        %shift_left3A_308 = arith.constant 16 : i32
        %shift_left3A_309 = vector.broadcast %shift_left3A_308 : i32 to vector<16xi32>
        %shift_left3A_310 = arith.shli %bitcast3A_307, %shift_left3A_309 : vector<16xi32>
        %bitcast3A_311 = vector.bitcast %shift_left3A_310 : vector<16xi32> to vector<16xf32>
        %and3A_312 = arith.constant -65536 : i32
        %and3A_313 = vector.broadcast %and3A_312 : i32 to vector<16xi32>
        %and3A_314 = arith.andi %bitcast3A_307, %and3A_313 : vector<16xi32>
        %bitcast3A_315 = vector.bitcast %and3A_314 : vector<16xi32> to vector<16xf32>
        %add3A_316 = arith.constant 3 : i32
        %add3A_317 = arith.addi %mul3A_241, %add3A_316 : i32
        %get3A_318 = arith.index_cast %add3A_317 : i32 to index
        %get3A_319 = arith.constant 0 : index
        %get3A_320 = tpu.vector_load %arg9[%get3A_318, %get3A_319] {strides = array<i32>} : memref<96x32xf32, #tpu.memory_space<vmem>>, vector<16xf32>,
        %bitcast3A_321 = vector.bitcast %get3A_320 : vector<16xf32> to vector<16xi32>
        %shift_left3A_322 = arith.constant 16 : i32
        %shift_left3A_323 = vector.broadcast %shift_left3A_322 : i32 to vector<16xi32>
        %shift_left3A_324 = arith.shli %bitcast3A_321, %shift_left3A_323 : vector<16xi32>
        %bitcast3A_325 = vector.bitcast %shift_left3A_324 : vector<16xi32> to vector<16xf32>
        %and3A_326 = arith.constant -65536 : i32
        %and3A_327 = vector.broadcast %and3A_326 : i32 to vector<16xi32>
        %and3A_328 = arith.andi %bitcast3A_321, %and3A_327 : vector<16xi32>
        %bitcast3A_329 = vector.bitcast %and3A_328 : vector<16xi32> to vector<16xf32>
        %get3A_330 = arith.index_cast %add3A_317 : i32 to index
        %get3A_331 = arith.constant 16 : index
        %get3A_332 = tpu.vector_load %arg9[%get3A_330, %get3A_331] {strides = array<i32>} : memref<96x32xf32, #tpu.memory_space<vmem>>, vector<16xf32>,
        %bitcast3A_333 = vector.bitcast %get3A_332 : vector<16xf32> to vector<16xi32>
        %shift_left3A_334 = arith.constant 16 : i32
        %shift_left3A_335 = vector.broadcast %shift_left3A_334 : i32 to vector<16xi32>
        %shift_left3A_336 = arith.shli %bitcast3A_333, %shift_left3A_335 : vector<16xi32>
        %bitcast3A_337 = vector.bitcast %shift_left3A_336 : vector<16xi32> to vector<16xf32>
        %and3A_338 = arith.constant -65536 : i32
        %and3A_339 = vector.broadcast %and3A_338 : i32 to vector<16xi32>
        %and3A_340 = arith.andi %bitcast3A_333, %and3A_339 : vector<16xi32>
        %bitcast3A_341 = vector.bitcast %and3A_340 : vector<16xi32> to vector<16xf32>
        %add3A_342 = arith.constant 4 : i32
        %add3A_343 = arith.addi %mul3A_241, %add3A_342 : i32
        %get3A_344 = arith.index_cast %add3A_343 : i32 to index
        %get3A_345 = arith.constant 0 : index
        %get3A_346 = tpu.vector_load %arg9[%get3A_344, %get3A_345] {strides = array<i32>} : memref<96x32xf32, #tpu.memory_space<vmem>>, vector<16xf32>,
        %bitcast3A_347 = vector.bitcast %get3A_346 : vector<16xf32> to vector<16xi32>
        %shift_left3A_348 = arith.constant 16 : i32
        %shift_left3A_349 = vector.broadcast %shift_left3A_348 : i32 to vector<16xi32>
        %shift_left3A_350 = arith.shli %bitcast3A_347, %shift_left3A_349 : vector<16xi32>
        %bitcast3A_351 = vector.bitcast %shift_left3A_350 : vector<16xi32> to vector<16xf32>
        %and3A_352 = arith.constant -65536 : i32
        %and3A_353 = vector.broadcast %and3A_352 : i32 to vector<16xi32>
        %and3A_354 = arith.andi %bitcast3A_347, %and3A_353 : vector<16xi32>
        %bitcast3A_355 = vector.bitcast %and3A_354 : vector<16xi32> to vector<16xf32>
        %get3A_356 = arith.index_cast %add3A_343 : i32 to index
        %get3A_357 = arith.constant 16 : index
        %get3A_358 = tpu.vector_load %arg9[%get3A_356, %get3A_357] {strides = array<i32>} : memref<96x32xf32, #tpu.memory_space<vmem>>, vector<16xf32>,
        %bitcast3A_359 = vector.bitcast %get3A_358 : vector<16xf32> to vector<16xi32>
        %shift_left3A_360 = arith.constant 16 : i32
        %shift_left3A_361 = vector.broadcast %shift_left3A_360 : i32 to vector<16xi32>
        %shift_left3A_362 = arith.shli %bitcast3A_359, %shift_left3A_361 : vector<16xi32>
        %bitcast3A_363 = vector.bitcast %shift_left3A_362 : vector<16xi32> to vector<16xf32>
        %and3A_364 = arith.constant -65536 : i32
        %and3A_365 = vector.broadcast %and3A_364 : i32 to vector<16xi32>
        %and3A_366 = arith.andi %bitcast3A_359, %and3A_365 : vector<16xi32>
        %bitcast3A_367 = vector.bitcast %and3A_366 : vector<16xi32> to vector<16xf32>
        %add3A_368 = arith.constant 5 : i32
        %add3A_369 = arith.addi %mul3A_241, %add3A_368 : i32
        %get3A_370 = arith.index_cast %add3A_369 : i32 to index
        %get3A_371 = arith.constant 0 : index
        %get3A_372 = tpu.vector_load %arg9[%get3A_370, %get3A_371] {strides = array<i32>} : memref<96x32xf32, #tpu.memory_space<vmem>>, vector<16xf32>,
        %bitcast3A_373 = vector.bitcast %get3A_372 : vector<16xf32> to vector<16xi32>
        %shift_left3A_374 = arith.constant 16 : i32
        %shift_left3A_375 = vector.broadcast %shift_left3A_374 : i32 to vector<16xi32>
        %shift_left3A_376 = arith.shli %bitcast3A_373, %shift_left3A_375 : vector<16xi32>
        %bitcast3A_377 = vector.bitcast %shift_left3A_376 : vector<16xi32> to vector<16xf32>
        %and3A_378 = arith.constant -65536 : i32
        %and3A_379 = vector.broadcast %and3A_378 : i32 to vector<16xi32>
        %and3A_380 = arith.andi %bitcast3A_373, %and3A_379 : vector<16xi32>
        %bitcast3A_381 = vector.bitcast %and3A_380 : vector<16xi32> to vector<16xf32>
        %get3A_382 = arith.index_cast %add3A_369 : i32 to index
        %get3A_383 = arith.constant 16 : index
        %get3A_384 = tpu.vector_load %arg9[%get3A_382, %get3A_383] {strides = array<i32>} : memref<96x32xf32, #tpu.memory_space<vmem>>, vector<16xf32>,
        %bitcast3A_385 = vector.bitcast %get3A_384 : vector<16xf32> to vector<16xi32>
        %shift_left3A_386 = arith.constant 16 : i32
        %shift_left3A_387 = vector.broadcast %shift_left3A_386 : i32 to vector<16xi32>
        %shift_left3A_388 = arith.shli %bitcast3A_385, %shift_left3A_387 : vector<16xi32>
        %bitcast3A_389 = vector.bitcast %shift_left3A_388 : vector<16xi32> to vector<16xf32>
        %and3A_390 = arith.constant -65536 : i32
        %and3A_391 = vector.broadcast %and3A_390 : i32 to vector<16xi32>
        %and3A_392 = arith.andi %bitcast3A_385, %and3A_391 : vector<16xi32>
        %bitcast3A_393 = vector.bitcast %and3A_392 : vector<16xi32> to vector<16xf32>
        %add3A_394 = arith.constant 6 : i32
        %add3A_395 = arith.addi %mul3A_241, %add3A_394 : i32
        %get3A_396 = arith.index_cast %add3A_395 : i32 to index
        %get3A_397 = arith.constant 0 : index
        %get3A_398 = tpu.vector_load %arg9[%get3A_396, %get3A_397] {strides = array<i32>} : memref<96x32xf32, #tpu.memory_space<vmem>>, vector<16xf32>,
        %bitcast3A_399 = vector.bitcast %get3A_398 : vector<16xf32> to vector<16xi32>
        %shift_left3A_400 = arith.constant 16 : i32
        %shift_left3A_401 = vector.broadcast %shift_left3A_400 : i32 to vector<16xi32>
        %shift_left3A_402 = arith.shli %bitcast3A_399, %shift_left3A_401 : vector<16xi32>
        %bitcast3A_403 = vector.bitcast %shift_left3A_402 : vector<16xi32> to vector<16xf32>
        %and3A_404 = arith.constant -65536 : i32
        %and3A_405 = vector.broadcast %and3A_404 : i32 to vector<16xi32>
        %and3A_406 = arith.andi %bitcast3A_399, %and3A_405 : vector<16xi32>
        %bitcast3A_407 = vector.bitcast %and3A_406 : vector<16xi32> to vector<16xf32>
        %get3A_408 = arith.index_cast %add3A_395 : i32 to index
        %get3A_409 = arith.constant 16 : index
        %get3A_410 = tpu.vector_load %arg9[%get3A_408, %get3A_409] {strides = array<i32>} : memref<96x32xf32, #tpu.memory_space<vmem>>, vector<16xf32>,
        %bitcast3A_411 = vector.bitcast %get3A_410 : vector<16xf32> to vector<16xi32>
        %shift_left3A_412 = arith.constant 16 : i32
        %shift_left3A_413 = vector.broadcast %shift_left3A_412 : i32 to vector<16xi32>
        %shift_left3A_414 = arith.shli %bitcast3A_411, %shift_left3A_413 : vector<16xi32>
        %bitcast3A_415 = vector.bitcast %shift_left3A_414 : vector<16xi32> to vector<16xf32>
        %and3A_416 = arith.constant -65536 : i32
        %and3A_417 = vector.broadcast %and3A_416 : i32 to vector<16xi32>
        %and3A_418 = arith.andi %bitcast3A_411, %and3A_417 : vector<16xi32>
        %bitcast3A_419 = vector.bitcast %and3A_418 : vector<16xi32> to vector<16xf32>
        %add3A_420 = arith.constant 7 : i32
        %add3A_421 = arith.addi %mul3A_241, %add3A_420 : i32
        %get3A_422 = arith.index_cast %add3A_421 : i32 to index
        %get3A_423 = arith.constant 0 : index
        %get3A_424 = tpu.vector_load %arg9[%get3A_422, %get3A_423] {strides = array<i32>} : memref<96x32xf32, #tpu.memory_space<vmem>>, vector<16xf32>,
        %bitcast3A_425 = vector.bitcast %get3A_424 : vector<16xf32> to vector<16xi32>
        %shift_left3A_426 = arith.constant 16 : i32
        %shift_left3A_427 = vector.broadcast %shift_left3A_426 : i32 to vector<16xi32>
        %shift_left3A_428 = arith.shli %bitcast3A_425, %shift_left3A_427 : vector<16xi32>
        %bitcast3A_429 = vector.bitcast %shift_left3A_428 : vector<16xi32> to vector<16xf32>
        %and3A_430 = arith.constant -65536 : i32
        %and3A_431 = vector.broadcast %and3A_430 : i32 to vector<16xi32>
        %and3A_432 = arith.andi %bitcast3A_425, %and3A_431 : vector<16xi32>
        %bitcast3A_433 = vector.bitcast %and3A_432 : vector<16xi32> to vector<16xf32>
        %get3A_434 = arith.index_cast %add3A_421 : i32 to index
        %get3A_435 = arith.constant 16 : index
        %get3A_436 = tpu.vector_load %arg9[%get3A_434, %get3A_435] {strides = array<i32>} : memref<96x32xf32, #tpu.memory_space<vmem>>, vector<16xf32>,
        %bitcast3A_437 = vector.bitcast %get3A_436 : vector<16xf32> to vector<16xi32>
        %shift_left3A_438 = arith.constant 16 : i32
        %shift_left3A_439 = vector.broadcast %shift_left3A_438 : i32 to vector<16xi32>
        %shift_left3A_440 = arith.shli %bitcast3A_437, %shift_left3A_439 : vector<16xi32>
        %bitcast3A_441 = vector.bitcast %shift_left3A_440 : vector<16xi32> to vector<16xf32>
        %and3A_442 = arith.constant -65536 : i32
        %and3A_443 = vector.broadcast %and3A_442 : i32 to vector<16xi32>
        %and3A_444 = arith.andi %bitcast3A_437, %and3A_443 : vector<16xi32>
        %bitcast3A_445 = vector.bitcast %and3A_444 : vector<16xi32> to vector<16xf32>
        %max3A = arith.maximumf %bitcast3A_248, %bitcast3A_273 : vector<16xf32>
        %max3A_446 = arith.maximumf %bitcast3A_299, %bitcast3A_325 : vector<16xf32>
        %max3A_447 = arith.maximumf %bitcast3A_351, %bitcast3A_377 : vector<16xf32>
        %max3A_448 = arith.maximumf %bitcast3A_403, %bitcast3A_429 : vector<16xf32>
        %max3A_449 = arith.maximumf %max3A, %max3A_446 : vector<16xf32>
        %max3A_450 = arith.maximumf %max3A_447, %max3A_448 : vector<16xf32>
        %max3A_451 = arith.maximumf %max3A_449, %max3A_450 : vector<16xf32>
        %max3A_452 = arith.maximumf %scan3A_236, %max3A_451 : vector<16xf32>
        %max3A_453 = arith.maximumf %bitcast3A_251, %bitcast3A_277 : vector<16xf32>
        %max3A_454 = arith.maximumf %bitcast3A_303, %bitcast3A_329 : vector<16xf32>
        %max3A_455 = arith.maximumf %bitcast3A_355, %bitcast3A_381 : vector<16xf32>
        %max3A_456 = arith.maximumf %bitcast3A_407, %bitcast3A_433 : vector<16xf32>
        %max3A_457 = arith.maximumf %max3A_453, %max3A_454 : vector<16xf32>
        %max3A_458 = arith.maximumf %max3A_455, %max3A_456 : vector<16xf32>
        %max3A_459 = arith.maximumf %max3A_457, %max3A_458 : vector<16xf32>
        %max3A_460 = arith.maximumf %scan3A_237, %max3A_459 : vector<16xf32>
        %max3A_461 = arith.maximumf %bitcast3A_259, %bitcast3A_285 : vector<16xf32>
        %max3A_462 = arith.maximumf %bitcast3A_311, %bitcast3A_337 : vector<16xf32>
        %max3A_463 = arith.maximumf %bitcast3A_363, %bitcast3A_389 : vector<16xf32>
        %max3A_464 = arith.maximumf %bitcast3A_415, %bitcast3A_441 : vector<16xf32>
        %max3A_465 = arith.maximumf %max3A_461, %max3A_462 : vector<16xf32>
        %max3A_466 = arith.maximumf %max3A_463, %max3A_464 : vector<16xf32>
        %max3A_467 = arith.maximumf %max3A_465, %max3A_466 : vector<16xf32>
        %max3A_468 = arith.maximumf %scan3A_238, %max3A_467 : vector<16xf32>
        %max3A_469 = arith.maximumf %bitcast3A_263, %bitcast3A_289 : vector<16xf32>
        %max3A_470 = arith.maximumf %bitcast3A_315, %bitcast3A_341 : vector<16xf32>
        %max3A_471 = arith.maximumf %bitcast3A_367, %bitcast3A_393 : vector<16xf32>
        %max3A_472 = arith.maximumf %bitcast3A_419, %bitcast3A_445 : vector<16xf32>
        %max3A_473 = arith.maximumf %max3A_469, %max3A_470 : vector<16xf32>
        %max3A_474 = arith.maximumf %max3A_471, %max3A_472 : vector<16xf32>
        %max3A_475 = arith.maximumf %max3A_473, %max3A_474 : vector<16xf32>
        %max3A_476 = arith.maximumf %scan3A_239, %max3A_475 : vector<16xf32>
        scf.yield %max3A_452, %max3A_460, %max3A_468, %max3A_476 : vector<16xf32>, vector<16xf32>, vector<16xf32>, vector<16xf32>
      }
      %scan3A_170 = arith.constant 12 : i32
      %mul3A_171 = arith.constant 2.000000e+00 : f32
      %mul3A_172 = vector.broadcast %mul3A_171 : f32 to vector<16xf32>
      %mul3A_173 = arith.mulf %mul3A_172, %scan3A_169#0 : vector<16xf32>
      %exp3A_174 = math.exp %mul3A_173 : vector<16xf32>
      %add3A_175 = arith.constant 1.000000e+00 : f32
      %add3A_176 = vector.broadcast %add3A_175 : f32 to vector<16xf32>
      %add3A_177 = arith.addf %exp3A_174, %add3A_176 : vector<16xf32>
      %div3A_178 = arith.constant 2.000000e+00 : f32
      %div3A_179 = vector.broadcast %div3A_178 : f32 to vector<16xf32>
      %div3A_180 = arith.divf %div3A_179, %add3A_177 : vector<16xf32>
      %sub3A_181 = arith.constant 1.000000e+00 : f32
      %sub3A_182 = vector.broadcast %sub3A_181 : f32 to vector<16xf32>
      %sub3A_183 = arith.subf %sub3A_182, %div3A_180 : vector<16xf32>
      %swap3A_184 = arith.index_cast %add3A_150 : i32 to index
      %swap3A_185 = arith.constant 0 : index
      %swap3A_186 = tpu.vector_load %arg10[%swap3A_184, %swap3A_185] {strides = array<i32>} : memref<128x64xf32, #tpu.memory_space<vmem>>, vector<16xf32>,
      tpu.vector_store %arg10[%swap3A_184, %swap3A_185], %sub3A_183 {strides = array<i32>} : memref<128x64xf32, #tpu.memory_space<vmem>>, vector<16xf32>,
      %mul3A_187 = arith.constant 2.000000e+00 : f32
      %mul3A_188 = vector.broadcast %mul3A_187 : f32 to vector<16xf32>
      %mul3A_189 = arith.mulf %mul3A_188, %scan3A_169#1 : vector<16xf32>
      %exp3A_190 = math.exp %mul3A_189 : vector<16xf32>
      %add3A_191 = arith.constant 1.000000e+00 : f32
      %add3A_192 = vector.broadcast %add3A_191 : f32 to vector<16xf32>
      %add3A_193 = arith.addf %exp3A_190, %add3A_192 : vector<16xf32>
      %div3A_194 = arith.constant 2.000000e+00 : f32
      %div3A_195 = vector.broadcast %div3A_194 : f32 to vector<16xf32>
      %div3A_196 = arith.divf %div3A_195, %add3A_193 : vector<16xf32>
      %sub3A_197 = arith.constant 1.000000e+00 : f32
      %sub3A_198 = vector.broadcast %sub3A_197 : f32 to vector<16xf32>
      %sub3A_199 = arith.subf %sub3A_198, %div3A_196 : vector<16xf32>
      %swap3A_200 = arith.index_cast %add3A_150 : i32 to index
      %swap3A_201 = arith.constant 16 : index
      %swap3A_202 = tpu.vector_load %arg10[%swap3A_200, %swap3A_201] {strides = array<i32>} : memref<128x64xf32, #tpu.memory_space<vmem>>, vector<16xf32>,
      tpu.vector_store %arg10[%swap3A_200, %swap3A_201], %sub3A_199 {strides = array<i32>} : memref<128x64xf32, #tpu.memory_space<vmem>>, vector<16xf32>,
      %mul3A_203 = arith.constant 2.000000e+00 : f32
      %mul3A_204 = vector.broadcast %mul3A_203 : f32 to vector<16xf32>
      %mul3A_205 = arith.mulf %mul3A_204, %scan3A_169#2 : vector<16xf32>
      %exp3A_206 = math.exp %mul3A_205 : vector<16xf32>
      %add3A_207 = arith.constant 1.000000e+00 : f32
      %add3A_208 = vector.broadcast %add3A_207 : f32 to vector<16xf32>
      %add3A_209 = arith.addf %exp3A_206, %add3A_208 : vector<16xf32>
      %div3A_210 = arith.constant 2.000000e+00 : f32
      %div3A_211 = vector.broadcast %div3A_210 : f32 to vector<16xf32>
      %div3A_212 = arith.divf %div3A_211, %add3A_209 : vector<16xf32>
      %sub3A_213 = arith.constant 1.000000e+00 : f32
      %sub3A_214 = vector.broadcast %sub3A_213 : f32 to vector<16xf32>
      %sub3A_215 = arith.subf %sub3A_214, %div3A_212 : vector<16xf32>
      %swap3A_216 = arith.index_cast %add3A_150 : i32 to index
      %swap3A_217 = arith.constant 32 : index
      %swap3A_218 = tpu.vector_load %arg10[%swap3A_216, %swap3A_217] {strides = array<i32>} : memref<128x64xf32, #tpu.memory_space<vmem>>, vector<16xf32>,
      tpu.vector_store %arg10[%swap3A_216, %swap3A_217], %sub3A_215 {strides = array<i32>} : memref<128x64xf32, #tpu.memory_space<vmem>>, vector<16xf32>,
      %mul3A_219 = arith.constant 2.000000e+00 : f32
      %mul3A_220 = vector.broadcast %mul3A_219 : f32 to vector<16xf32>
      %mul3A_221 = arith.mulf %mul3A_220, %scan3A_169#3 : vector<16xf32>
      %exp3A_222 = math.exp %mul3A_221 : vector<16xf32>
      %add3A_223 = arith.constant 1.000000e+00 : f32
      %add3A_224 = vector.broadcast %add3A_223 : f32 to vector<16xf32>
      %add3A_225 = arith.addf %exp3A_222, %add3A_224 : vector<16xf32>
      %div3A_226 = arith.constant 2.000000e+00 : f32
      %div3A_227 = vector.broadcast %div3A_226 : f32 to vector<16xf32>
      %div3A_228 = arith.divf %div3A_227, %add3A_225 : vector<16xf32>
      %sub3A_229 = arith.constant 1.000000e+00 : f32
      %sub3A_230 = vector.broadcast %sub3A_229 : f32 to vector<16xf32>
      %sub3A_231 = arith.subf %sub3A_230, %div3A_228 : vector<16xf32>
      %swap3A_232 = arith.index_cast %add3A_150 : i32 to index
      %swap3A_233 = arith.constant 48 : index
      %swap3A_234 = tpu.vector_load %arg10[%swap3A_232, %swap3A_233] {strides = array<i32>} : memref<128x64xf32, #tpu.memory_space<vmem>>, vector<16xf32>,
      tpu.vector_store %arg10[%swap3A_232, %swap3A_233], %sub3A_231 {strides = array<i32>} : memref<128x64xf32, #tpu.memory_space<vmem>>, vector<16xf32>,
    }
    %scan3A_19 = arith.constant 64 : i32
    "tpu.region"() ({
      %run_scoped3A = tpu.sem_alloc : memref<!tpu.dma_semaphore, #tpu.memory_space<semaphore_mem>>
      %dma_start3A_20 = arith.constant 0 : i32
      %dma_start3A_21 = tpu.memref_slice %arg4[%mul3A_2, %dma_start3A_20] : memref<4096x64xf32, #tpu.memory_space<hbm>> -> memref<128x64xf32, #tpu.memory_space<hbm>>
      %dma_start3A_22 = arith.constant 0 : i32
      %dma_start3A_23 = tpu.memref_slice %arg4[%mul3A_2, %dma_start3A_22] : memref<4096x64xf32, #tpu.memory_space<hbm>> -> memref<128x64xf32, #tpu.memory_space<hbm>>
      tpu.enqueue_dma source(%arg10 : memref<128x64xf32, #tpu.memory_space<vmem>>) target(%dma_start3A_23 : memref<128x64xf32, #tpu.memory_space<hbm>>) target_semaphore(%run_scoped3A : memref<!tpu.dma_semaphore, #tpu.memory_space<semaphore_mem>>)
      %dma_wait3A = arith.constant 0 : i32
      %dma_wait3A_24 = tpu.memref_slice %arg4[%mul3A_2, %dma_wait3A] : memref<4096x64xf32, #tpu.memory_space<hbm>> -> memref<128x64xf32, #tpu.memory_space<hbm>>
      %dma_wait3A_25 = arith.constant 0 : i32
      %dma_wait3A_26 = tpu.memref_slice %arg4[%mul3A_2, %dma_wait3A_25] : memref<4096x64xf32, #tpu.memory_space<hbm>> -> memref<128x64xf32, #tpu.memory_space<hbm>>
      tpu.wait_dma2 semaphore(%run_scoped3A : memref<!tpu.dma_semaphore, #tpu.memory_space<semaphore_mem>>) src(%arg10 : memref<128x64xf32, #tpu.memory_space<vmem>>) dst(%dma_wait3A_26 : memref<128x64xf32, #tpu.memory_space<hbm>>)
      tpu.yield
    }) : () -> ()
    return
  }
}

module attributes {stable_mosaic.version = 14 : i64} {
  func.func @body(%arg0: i32, %arg1: memref<64x16384xf32, #tpu.memory_space<vmem>>, %arg2: memref<4096x128xf32, #tpu.memory_space<vmem>>) attributes {dimension_semantics = [#tpu.dimension_semantics<arbitrary>], iteration_bounds = array<i64: 62>, scalar_prefetch = 0 : i64, scratch_operands = 0 : i64, tpu.core_type = #tpu.core_type<tc>, window_params = [{transform_indices = @transform_0, window_bounds = array<i64: 64, 16384>}, {transform_indices = @transform_1, window_bounds = array<i64: 4096, 128>}]} {
    %get3A = arith.constant 0 : index
    %get3A_0 = arith.constant 0 : index
    %get3A_1 = vector.load %arg1[%get3A, %get3A_0] : memref<64x16384xf32, #tpu.memory_space<vmem>>, vector<64x16384xf32>
    %convert_element_type3A = arith.truncf %get3A_1 : vector<64x16384xf32> to vector<64x16384xbf16>
    %iota3A = tpu.iota {dimensions = array<i32: 0>} : vector<64x32xi32>
    %iota3A_2 = tpu.iota {dimensions = array<i32: 1>} : vector<64x32xi32>
    %jit3A = arith.constant 16 : i32
    %div3A = vector.broadcast %jit3A : i32 to vector<64x32xi32>
    %div3A_3 = arith.divsi %iota3A_2, %div3A : vector<64x32xi32>
    %sign3A = arith.constant 0 : i32
    %sign3A_4 = vector.broadcast %sign3A : i32 to vector<64x32xi32>
    %sign3A_5 = arith.cmpi sgt, %iota3A_2, %sign3A_4 : vector<64x32xi32>
    %sign3A_6 = arith.extui %sign3A_5 : vector<64x32xi1> to vector<64x32xi32>
    %sign3A_7 = arith.constant 0 : i32
    %sign3A_8 = vector.broadcast %sign3A_7 : i32 to vector<64x32xi32>
    %sign3A_9 = arith.cmpi slt, %iota3A_2, %sign3A_8 : vector<64x32xi32>
    %sign3A_10 = arith.extui %sign3A_9 : vector<64x32xi1> to vector<64x32xi32>
    %sign3A_11 = arith.subi %sign3A_6, %sign3A_10 : vector<64x32xi32>
    %sign3A_12 = arith.constant 0 : i32
    %sign3A_13 = arith.cmpi sgt, %jit3A, %sign3A_12 : i32
    %sign3A_14 = arith.extui %sign3A_13 : i1 to i32
    %sign3A_15 = arith.constant 0 : i32
    %sign3A_16 = arith.cmpi slt, %jit3A, %sign3A_15 : i32
    %sign3A_17 = arith.extui %sign3A_16 : i1 to i32
    %sign3A_18 = arith.subi %sign3A_14, %sign3A_17 : i32
    %ne3A = vector.broadcast %sign3A_18 : i32 to vector<64x32xi32>
    %ne3A_19 = arith.cmpi ne, %sign3A_11, %ne3A : vector<64x32xi32>
    %rem3A = vector.broadcast %jit3A : i32 to vector<64x32xi32>
    %rem3A_20 = arith.remsi %iota3A_2, %rem3A : vector<64x32xi32>
    %ne3A_21 = arith.constant 0 : i32
    %ne3A_22 = vector.broadcast %ne3A_21 : i32 to vector<64x32xi32>
    %ne3A_23 = arith.cmpi ne, %rem3A_20, %ne3A_22 : vector<64x32xi32>
    %and3A = arith.andi %ne3A_19, %ne3A_23 : vector<64x32xi1>
    %sub3A = arith.constant 1 : i32
    %sub3A_24 = vector.broadcast %sub3A : i32 to vector<64x32xi32>
    %sub3A_25 = arith.subi %div3A_3, %sub3A_24 : vector<64x32xi32>
    %select_n3A = arith.select %and3A, %sub3A_25, %div3A_3 : vector<64x32xi1>, vector<64x32xi32>
    %mul3A = arith.constant 32 : i32
    %mul3A_26 = vector.broadcast %mul3A : i32 to vector<64x32xi32>
    %mul3A_27 = arith.muli %mul3A_26, %select_n3A : vector<64x32xi32>
    %jit3A_28 = arith.constant 16 : i32
    %eq3A = arith.constant 0 : i32
    %eq3A_29 = arith.cmpi eq, %jit3A_28, %eq3A : i32
    %jit3A_30 = arith.constant 1 : i32
    %select_n3A_31 = arith.select %eq3A_29, %jit3A_30, %jit3A_28 : i32
    %rem3A_32 = vector.broadcast %select_n3A_31 : i32 to vector<64x32xi32>
    %rem3A_33 = arith.remsi %iota3A_2, %rem3A_32 : vector<64x32xi32>
    %ne3A_34 = arith.constant 0 : i32
    %ne3A_35 = vector.broadcast %ne3A_34 : i32 to vector<64x32xi32>
    %ne3A_36 = arith.cmpi ne, %rem3A_33, %ne3A_35 : vector<64x32xi32>
    %lt3A = arith.constant 0 : i32
    %lt3A_37 = vector.broadcast %lt3A : i32 to vector<64x32xi32>
    %lt3A_38 = arith.cmpi slt, %rem3A_33, %lt3A_37 : vector<64x32xi32>
    %lt3A_39 = arith.constant 0 : i32
    %lt3A_40 = arith.cmpi slt, %select_n3A_31, %lt3A_39 : i32
    %ne3A_41 = vector.broadcast %lt3A_40 : i1 to vector<64x32xi1>
    %ne3A_42 = vector.broadcast %ne3A_41 : vector<64x32xi1> to vector<64x32xi1>
    %ne3A_43 = arith.xori %lt3A_38, %ne3A_42 : vector<64x32xi1>
    %and3A_44 = arith.andi %ne3A_43, %ne3A_36 : vector<64x32xi1>
    %add3A = vector.broadcast %select_n3A_31 : i32 to vector<64x32xi32>
    %add3A_45 = arith.addi %rem3A_33, %add3A : vector<64x32xi32>
    %select_n3A_46 = arith.select %and3A_44, %add3A_45, %rem3A_33 : vector<64x32xi1>, vector<64x32xi32>
    %add3A_47 = arith.addi %mul3A_27, %select_n3A_46 : vector<64x32xi32>
    %eq3A_48 = arith.cmpi eq, %iota3A, %add3A_47 : vector<64x32xi32>
    %convert_element_type3A_49 = arith.extui %eq3A_48 : vector<64x32xi1> to vector<64x32xi32>
    %convert_element_type3A_50 = arith.sitofp %convert_element_type3A_49 : vector<64x32xi32> to vector<64x32xf32>
    %convert_element_type3A_51 = arith.truncf %convert_element_type3A_50 : vector<64x32xf32> to vector<64x32xbf16>
    %add3A_52 = arith.constant 16 : i32
    %add3A_53 = vector.broadcast %add3A_52 : i32 to vector<64x32xi32>
    %add3A_54 = arith.addi %add3A_47, %add3A_53 : vector<64x32xi32>
    %eq3A_55 = arith.cmpi eq, %iota3A, %add3A_54 : vector<64x32xi32>
    %convert_element_type3A_56 = arith.extui %eq3A_55 : vector<64x32xi1> to vector<64x32xi32>
    %convert_element_type3A_57 = arith.sitofp %convert_element_type3A_56 : vector<64x32xi32> to vector<64x32xf32>
    %convert_element_type3A_58 = arith.truncf %convert_element_type3A_57 : vector<64x32xf32> to vector<64x32xbf16>
    %dot_general3A = arith.constant dense<0.000000e+00> : vector<16384x32xf32>
    %dot_general3A_59 = tpu.matmul %convert_element_type3A, %convert_element_type3A_51, %dot_general3A {dimension_numbers = #tpu.dot_dimension_numbers<[0], [0], [1], [1], [0, 1, 1, 1], [], []>, transpose_lhs_hint = false} : vector<64x16384xbf16>, vector<64x32xbf16>, vector<16384x32xf32> -> vector<16384x32xf32>
    %dot_general3A_60 = arith.constant dense<0.000000e+00> : vector<16384x32xf32>
    %dot_general3A_61 = tpu.matmul %convert_element_type3A, %convert_element_type3A_58, %dot_general3A_60 {dimension_numbers = #tpu.dot_dimension_numbers<[0], [0], [1], [1], [0, 1, 1, 1], [], []>, transpose_lhs_hint = false} : vector<64x16384xbf16>, vector<64x32xbf16>, vector<16384x32xf32> -> vector<16384x32xf32>
    %bitcast_convert_type3A = tpu.bitcast %dot_general3A_59 : vector<16384x32xf32> -> vector<16384x32xi32>
    %bitcast_convert_type3A_62 = tpu.bitcast %dot_general3A_61 : vector<16384x32xf32> -> vector<16384x32xi32>
    %shift_right_logical3A = arith.constant 16 : i32
    %shift_right_logical3A_63 = vector.broadcast %shift_right_logical3A : i32 to vector<16384x32xi32>
    %shift_right_logical3A_64 = arith.shrui %bitcast_convert_type3A, %shift_right_logical3A_63 : vector<16384x32xi32>
    %and3A_65 = arith.constant -65536 : i32
    %and3A_66 = vector.broadcast %and3A_65 : i32 to vector<16384x32xi32>
    %and3A_67 = arith.andi %bitcast_convert_type3A_62, %and3A_66 : vector<16384x32xi32>
    %or3A = arith.ori %shift_right_logical3A_64, %and3A_67 : vector<16384x32xi32>
    %bitcast_convert_type3A_68 = tpu.bitcast %or3A : vector<16384x32xi32> -> vector<16384x32xf32>
    %slice3A = vector.extract_strided_slice %bitcast_convert_type3A_68 {offsets = [0, 0], sizes = [4096, 32], strides = [1, 1]} : vector<16384x32xf32> to vector<4096x32xf32>
    %swap3A = arith.constant 0 : index
    %swap3A_69 = arith.constant 0 : index
    %swap3A_70 = vector.load %arg2[%swap3A, %swap3A_69] : memref<4096x128xf32, #tpu.memory_space<vmem>>, vector<4096x32xf32>
    tpu.vector_store %arg2[%swap3A, %swap3A_69], %slice3A {strides = array<i32>} : memref<4096x128xf32, #tpu.memory_space<vmem>>, vector<4096x32xf32>,
    %slice3A_71 = vector.extract_strided_slice %bitcast_convert_type3A_68 {offsets = [4096, 0], sizes = [4096, 32], strides = [1, 1]} : vector<16384x32xf32> to vector<4096x32xf32>
    %swap3A_72 = arith.constant 0 : index
    %swap3A_73 = arith.constant 32 : index
    %swap3A_74 = vector.load %arg2[%swap3A_72, %swap3A_73] : memref<4096x128xf32, #tpu.memory_space<vmem>>, vector<4096x32xf32>
    tpu.vector_store %arg2[%swap3A_72, %swap3A_73], %slice3A_71 {strides = array<i32>} : memref<4096x128xf32, #tpu.memory_space<vmem>>, vector<4096x32xf32>,
    %slice3A_75 = vector.extract_strided_slice %bitcast_convert_type3A_68 {offsets = [8192, 0], sizes = [4096, 32], strides = [1, 1]} : vector<16384x32xf32> to vector<4096x32xf32>
    %swap3A_76 = arith.constant 0 : index
    %swap3A_77 = arith.constant 64 : index
    %swap3A_78 = vector.load %arg2[%swap3A_76, %swap3A_77] : memref<4096x128xf32, #tpu.memory_space<vmem>>, vector<4096x32xf32>
    tpu.vector_store %arg2[%swap3A_76, %swap3A_77], %slice3A_75 {strides = array<i32>} : memref<4096x128xf32, #tpu.memory_space<vmem>>, vector<4096x32xf32>,
    %slice3A_79 = vector.extract_strided_slice %bitcast_convert_type3A_68 {offsets = [12288, 0], sizes = [4096, 32], strides = [1, 1]} : vector<16384x32xf32> to vector<4096x32xf32>
    %swap3A_80 = arith.constant 0 : index
    %swap3A_81 = arith.constant 96 : index
    %swap3A_82 = vector.load %arg2[%swap3A_80, %swap3A_81] : memref<4096x128xf32, #tpu.memory_space<vmem>>, vector<4096x32xf32>
    tpu.vector_store %arg2[%swap3A_80, %swap3A_81], %slice3A_79 {strides = array<i32>} : memref<4096x128xf32, #tpu.memory_space<vmem>>, vector<4096x32xf32>,
    return
  }
  func.func @transform_0(%arg0: i32) -> (i32, i32) {
    %c0_i32 = arith.constant 0 : i32
    %c0_i32_0 = arith.constant 0 : i32
    return %c0_i32, %arg0 : i32, i32
  }
  func.func @transform_1(%arg0: i32) -> (i32, i32) {
    %c0_i32 = arith.constant 0 : i32
    %c0_i32_0 = arith.constant 0 : i32
    return %arg0, %c0_i32 : i32, i32
  }
}

</mosaic_0001>

<sc_bundles>
// kernel: kernel.4.cloned.1.call-start
scs
__scs_entry_jumppad:
0x0: {  	(pc) =	sbr.rel $0x88, $3  }
0x1: {  	(tag) =	ssettag $0x0;
	lr =	simm.s32 $0x1  }
0x2: {  	[smem:$0x3F9F] =	sst lr;
	_ =	strace $0xD0000000  }
0x3: {  	_ = 	snop  }
0x4: {  	_ = 	snop  }
0x5: {  	_ = 	snop  }
0x6: {  	_ = 	snop  }
0x7: {  	_ = 	snop  }
__scs_overlays_trampoline_lowered:
0x8: {  	[smem:$0x3FAE] =	sst s0  }
0x9: {  	[smem:$0x3FAF] =	sst s1  }
0xa: {  	[smem:$0x3FB0] =	sst s2  }
0xb: {  	[smem:$0x3FB1] =	sst s3  }
0xc: {  	[smem:$0x3FB2] =	sst s4  }
0xd: {  	[smem:$0x3FB3] =	sst s5  }
0xe: {  	[smem:$0x3FB4] =	sst s6  }
0xf: {  	[smem:$0x3FB5] =	sst s7  }
0x10: {  	[smem:$0x3FB6] =	sst s8  }
0x11: {  	[smem:$0x3FB7] =	sst s9;
	s0 =	simm.s32 @!p0 $0x0  }
0x12: {  	s1 =	sld [smem:$0x3F9D];
	s0 =	simm.s32 @p0 $0x1  }
0x13: {  	[smem:$0x3FB8] =	sst s0;
	s0 =	simm.s32 @!p1 $0x0  }
0x14: {  	s2 =	sld [smem:$0x3F9C];
	s0 =	simm.s32 @p1 $0x1  }
0x15: {  	[smem:$0x3FB9] =	sst s0;
	s0 =	simm.s32 @!p2 $0x0  }
0x16: {  	s3 =	sld [smem:$0x3FDB];
	s0 =	simm.s32 @p2 $0x1  }
0x17: {  	s4 =	simm.s32 $0x1BF5;
	[smem:$0x3FBB] =	sst s0  }
0x18: {  	s0 =	sld [smem:$0x3F9E];
	_ =	swait.ge [sflag:s4], $0x0  }
0x19: {  	s7 =	sld [smem:$0x3F9F]  }
0x1a: {  	s8 =	sadd.s32 $0xFFFFE003, lr  }
0x1b: {  	s9 =	sadd.s32 $0xFFFFFEF7, lr;
	s5 =	simm.s32 $0xFFFFFFFF;
	p2 =	slt.u32 s8, $0xFFFFF086  }
0x1c: {  	p1 =	slt.u32 s9, $0xF7A;
	s5 =	simm.s32 @!p2 $0x0  }
0x1d: {  	s5 =	simm.s32 @p1 $0x1;
	p0 =	seq.s32 s7, s2  }
0x1e: {  	s7 =	smul.u32 @!p0 $0xF7A, s2;
	p2 =	seq.s32 @!p0 s5, $0x0  }
0x1f: {  	s9 =	smul.u32 $0xF7A, s1;
	s8 =	simm.s32 @!p0 $0x1BF5;
	p2 =	por !p2, p0  }
0x20: {  	[sflag:s8] =	ssyncset.s32 @!p0 $0xFFFFF086;
	s6 =	sadd.s32 @!p0 s3, s7;
	s7 =	simm.s32 @!p0 $0x108  }
0x21: {  	s3 =	sadd.s32 s3, s9;
	s6 =	sadd.s32 @!p0 $0x88, s6;
	s7 =	simm.s32 @p2 $0x1082  }
0x22: {  	[simem:s7], [sflag:s8] =	dma.local @!p0 [hbm:s6], $0xF7A  }
0x23: {  	s9 =	sor.u32 $0xD0000000, s2;
	s6 =	simm.s32 $0x108;
	_ =	swait.ge @!p0 [sflag:s8], $0x0  }
0x24: {  	s3 =	sadd.s32 $0x88, s3;
	s6 =	simm.s32 @!p1 $0x1082;
	[sflag:s4] =	ssyncset.s32 $0xFFFFF086  }
0x25: {  	[simem:s6], [sflag:s4] =	dma.local [hbm:s3], $0xF7A  }
0x26: {  	[smem:$0x3F9F] =	sst s1;
	(tag) =	ssettag s2;
	_ =	strace s9  }
0x27: {  	s1 =	sld [smem:$0x3FAF]  }
0x28: {  	s2 =	sld [smem:$0x3FB0]  }
0x29: {  	s4 =	sld [smem:$0x3FB2]  }
0x2a: {  	p0 =	seq.s32 s5, $0x0;
	s5 =	sld [smem:$0x3FB3]  }
0x2b: {  	s6 =	sld [smem:$0x3FB4]  }
0x2c: {  	s7 =	sld [smem:$0x3FB5]  }
0x2d: {  	s3 =	simm.s32 $0x108;
	s8 =	sld [smem:$0x3FB6]  }
0x2e: {  	s3 =	simm.s32 @!p0 $0x1082;
	s9 =	sld [smem:$0x3FB7]  }
0x2f: {  	lr =	sadd.s32 s0, s3;
	s0 =	sld [smem:$0x3FAE]  }
0x30: {  	s3 =	sld [smem:$0x3FB1]  }
0x31: {  	[smem:$0x3FBA] =	sst s10  }
0x32: {  	s10 =	sld [smem:$0x3FB8];
	_ =	sdelay $0x3  }
0x33: {  	p0 =	seq.s32 s10, $0x1;
	s10 =	sld [smem:$0x3FBA];
	_ =	sdelay $0x3  }
0x34: {  	[smem:$0x3FBA] =	sst s10  }
0x35: {  	s10 =	sld [smem:$0x3FB9];
	_ =	sdelay $0x3  }
0x36: {  	p1 =	seq.s32 s10, $0x1;
	s10 =	sld [smem:$0x3FBA];
	_ =	sdelay $0x3  }
0x37: {  	[smem:$0x3FBA] =	sst s10  }
0x38: {  	s10 =	sld [smem:$0x3FBB]  }
0x39: {  	_ = 	snop;
	(pc) =	sbr.ind lr, $3  }
0x3a: {  	_ = 	snop  }
0x3b: {  	_ = 	snop  }
0x3c: {  	p2 =	seq.s32 s10, $0x1;
	s10 =	sld [smem:$0x3FBA]  }
0x3d: {  	_ =	shalt  }
0x3e: {  	_ =	shalt  }
0x3f: {  	_ =	shalt  }
0x40: {  	_ =	shalt  }
0x41: {  	_ =	shalt  }
0x42: {  	_ =	shalt  }
0x43: {  	_ =	shalt  }
0x44: {  	_ =	shalt  }
0x45: {  	_ =	shalt  }
0x46: {  	_ =	shalt  }
0x47: {  	_ =	shalt  }
0x48: {  	_ =	shalt  }
0x49: {  	_ =	shalt  }
0x4a: {  	_ =	shalt  }
0x4b: {  	_ =	shalt  }
0x4c: {  	_ =	shalt  }
0x4d: {  	_ =	shalt  }
0x4e: {  	_ =	shalt  }
0x4f: {  	_ =	shalt  }
0x50: {  	_ =	shalt  }
0x51: {  	_ =	shalt  }
0x52: {  	_ =	shalt  }
0x53: {  	_ =	shalt  }
0x54: {  	_ =	shalt  }
0x55: {  	_ =	shalt  }
0x56: {  	_ =	shalt  }
0x57: {  	_ =	shalt  }
0x58: {  	_ =	shalt  }
0x59: {  	_ =	shalt  }
0x5a: {  	_ =	shalt  }
0x5b: {  	_ =	shalt  }
0x5c: {  	_ =	shalt  }
0x5d: {  	_ =	shalt  }
0x5e: {  	_ =	shalt  }
0x5f: {  	_ =	shalt  }
0x60: {  	_ =	shalt  }
0x61: {  	_ =	shalt  }
0x62: {  	_ =	shalt  }
0x63: {  	_ =	shalt  }
0x64: {  	_ =	shalt  }
0x65: {  	_ =	shalt  }
0x66: {  	_ =	shalt  }
0x67: {  	_ =	shalt  }
0x68: {  	_ =	shalt  }
0x69: {  	_ =	shalt  }
0x6a: {  	_ =	shalt  }
0x6b: {  	_ =	shalt  }
0x6c: {  	_ =	shalt  }
0x6d: {  	_ =	shalt  }
0x6e: {  	_ =	shalt  }
0x6f: {  	_ =	shalt  }
0x70: {  	_ =	shalt  }
0x71: {  	_ =	shalt  }
0x72: {  	_ =	shalt  }
0x73: {  	_ =	shalt  }
0x74: {  	_ =	shalt  }
0x75: {  	_ =	shalt  }
0x76: {  	_ =	shalt  }
0x77: {  	_ =	shalt  }
0x78: {  	_ =	shalt  }
0x79: {  	_ =	shalt  }
0x7a: {  	_ =	shalt  }
0x7b: {  	_ =	shalt  }
0x7c: {  	_ =	shalt  }
0x7d: {  	_ =	shalt  }
0x7e: {  	_ =	shalt  }
0x7f: {  	_ =	shalt  }
0x80: {  	_ =	shalt  }
0x81: {  	_ =	shalt  }
0x82: {  	_ =	shalt  }
0x83: {  	_ =	shalt  }
0x84: {  	_ =	shalt  }
0x85: {  	_ =	shalt  }
0x86: {  	_ =	shalt  }
0x87: {  	_ =	shalt  }
.Lfunc_end0:
.L_simem_size_0:
called_computation_lowered:
.L_overlay_start_0:
0x88: {  	s2 =	sld [smem:$0x3FD9]  }
0x89: {  	s3 =	sld [smem:$0x3FFE];
	_ =	sdelay $0x1  }
0x8a: {  	s1 =	srdreg.scid  }
0x8b: {  	s0 =	sand.u32 $0x1, s1  }
0x8c: {  	s17 =	sshll.u32 s0, $0xA;
	s2 =	sadd.s32 s3, s2  }
0x8d: {  	s2 =	sadd.s32 s2, s17  }
0x8e: {  	[smem:$0x3FC6] =	sst s2  }
0x8f: {  	_ = 	snop  }
0x90: {  	s2 =	sld [smem:$0x3FD0];
	(tm) =	ssettm $0x1  }
0x91: {  	s18 =	sld [smem:$0x3FFB];
	_ =	sdelay $0x3  }
0x92: {  	_ =	strace s18  }
0x93: {  	s3 =	sld [smem:$0x3FFC];
	_ =	sdelay $0x3  }
0x94: {  	_ =	strace s3  }
0x95: {  	s3 =	sld [smem:$0x3FFD];
	_ =	sdelay $0x3  }
0x96: {  	_ =	strace s3  }
0x97: {  	_ =	strace $0x8FFFFFFF  }
0x98: {  	s19 =	sld [smem:$0x3FDB];
	_ =	sdelay $0x1  }
0x99: {  	s4 =	simm.s32 $_scs_section_size  }
0x9a: {  	s5 =	simm.s32 $_size__tile_overlayer_lowered;
	s6 =	simm.s32 $_tile_overlayer_lowered  }
0x9b: {  	s22 =	simm.s32 $0x1BFF;
	s21 =	sshll.u32 s6, $0x1;
	s3 =	sadd.s32 s4, s19  }
0x9c: {  	s7 =	simm.s32 $0x0;
	s20 =	sshll.u32 s5, $0x1;
	s5 =	sadd.s32 s21, s3  }
0x9d: {  	[timem:s7], [sflag:s22] =	dma.local [hbm:s5], s20  }
0x9e: {  	_ =	swait.ge [sflag:s22], s20  }
0x9f: {  	s4 =	ssub.s32 $0x0, s20;
	[sflag:s22] =	ssyncset.done $0x0  }
0xa0: {  	[sflag:s22] =	ssyncadd.s32 s4;
	_ =	sdelay $0x1  }
0xa1: {  	s23 =	simm.s32 $0x1B8B  }
0xa2: {  	_ =	swait.ge [sflag:s23], $0x1  }
0xa3: {  	[sflag:s23] =	ssyncset.done $0x0  }
0xa4: {  	s25 =	simm.s32 $0x1B8E;
	s24 =	sld [smem:$0x3FFE];
	[sflag:s23] =	ssyncadd.s32 $0xFFFFFFFF  }
0xa5: {  	s26 =	simm.s32 $execute0_lowered;
	[smem:$0x3FD2] =	sst s25  }
0xa6: {  	s5 =	sshll.u32 s26, $0x1;
	_ =	strace $0x80000046;
	[dreg:$0x1] =	wrdreg $0xFFFFFFFF  }
0xa7: {  	s28 =	simm.s32 $_size_execute0_lowered;
	s3 =	sadd.s32 s3, s5;
	[dreg:$0x0] =	wrdreg $0x0  }
0xa8: {  	s5 =	sshll.u32 s28, $0x1;
	[dreg:$0x2] =	wrdreg s3  }
0xa9: {  	[dreg:$0x3] =	wrdreg s5  }
0xaa: {  	[dreg:$0x4] =	wrdreg $0xC0  }
0xab: {  	_ =	task [dreg:s7], $0x5FFFF  }
0xac: {  	[dreg:$0x1] =	wrdreg $0xFFFFFFFF  }
0xad: {  	[dreg:$0x0] =	wrdreg $0x60  }
0xae: {  	[dreg:$0x2] =	wrdreg s24  }
0xaf: {  	[dreg:$0x3] =	wrdreg s2  }
0xb0: {  	[dreg:$0x4] =	wrdreg $0x9  }
0xb1: {  	_ =	task.clear_ibuf [dreg:s7], $0x5FFFF;
	_ =	strace $0x90000046  }
0xb2: {  	s29 =	simm.s32 $0x9;
	_ =	strace $0x80000048  }
0xb3: {  	_ =	swait.ge [sflag:s29], $0x1  }
0xb4: {  	[sflag:s29] =	ssyncadd.s32 $0xFFFFFFFF  }
0xb5: {  	_ =	strace $0x90000048  }
0xb6: {  	_ =	sfence  }
0xb7: {  	s30 =	sld [smem:$0x0];
	_ =	sdelay $0x2  }
0xb8: {  	s31 =	sshll.u32 s1, $0xD;
	s1 =	sshrl.u32 s1, $0x2  }
0xb9: {  	s3 =	sand.u32 $0x4000, s31;
	s1 =	sadd.s32 s1, s30  }
0xba: {  	s0 =	sor.u32 s3, s0;
	s1 =	sshll.u32 s1, $0x11  }
0xbb: {  	s0 =	sor.u32 s1, s0  }
0xbc: {  	s0 =	sadd.s32 $0x8F2B, s0  }
0xbd: {  	[sflag:s0] =	ssyncadd.remote.s32 $0x1  }
0xbe: {  	_ =	sfence.sel $0xFFFF  }
0xbf: {  	[dreg:$0x0] =	wrdreg $0xFFFFFFFF;
	(pc) =	sbr.abs _section_cstart, $3  }
0xc0: {  	[dreg:$0x1] =	wrdreg $0xFFFFFFFF  }
0xc1: {  	_ =	task.clear_ibuf [dreg:s7], $0x2FFFF;
	_ =	strace $0x9FFFFFFF  }
0xc2: {  	(tm) =	ssettm $0x7FFFFFFF  }
0xc3: {  	_ =	shalt  }
tec
execute0_lowered:
.L_overlay_start_1:
0x0: {  	(tag) =	ssettag $0x1  }
0x1: {  	s1 =	srdreg.scid  }
0x2: {  	s4 =	rddreg [dreg:$0x0];
	s0 =	stileid.u32  }
0x3: {  	s6 =	rddreg [dreg:$0x1];
	s2 =	simm.s32 $0x0;
	s9 =	simm.s32 $0x6400  }
0x4: {  	s10 =	simm.s32 $0x60;
	s11 =	simm.s32 $0x7100;
	s12 =	simm.s32 $0x7D00  }
0x5: {  	s13 =	simm.s32 $0x8A00;
	s14 =	simm.s32 $0x1;
	s5 =	sand.u32 $0x1, s1  }
0x6: {  	s15 =	simm.s32 $0x2;
	s3 =	sshll.u32 s0, $0x8;
	s7 =	sshll.u32 s5, $0x7  }
0x7: {  	s16 =	simm.s32 $0x9600;
	s1 =	rddreg [dreg:$0x2];
	s7 =	sor.u32 s7, s3  }
0x8: {  	s17 =	simm.s32 $0x0;
	[smem:$0x7FF] =	sst s2;
	s8 =	smul.u32 $0x19, s7  }
0x9: {  	_ =	strace $0x80000047;
	s5 =	ssub.s32 $0x2, s5;
	s3 =	sadd.s32 $0x19400, s4  }
0xa: {  	s31 =	sshrl.u32 s5, $0x1;
	s7 =	sshll.u32 s7, $0x3;
	s4 =	sadd.s32 s8, s4  }
0xb: {  	s8 =	ssub.s32 s5, s31;
	s5 =	sadd.s32 s6, s7;
	s7 =	simm.s32 $0x3  }
0xc: {  	s4 =	sadd.s32 $0x400, s4;
	s6 =	smax.u32 s8, $0x1;
	s8 =	simm.s32 $0x68  }
.LBB2_1:
0xd: {  	[tilespmem:s2], [sflag:$0x3] =	stream.linear.gather [hbm4b:s4+s2], $0x6400, $0x38;
	[tilespmem:$0xB600] =	vst v63  }
0xe: {  	_ =	swait.ge [sflag:s7], $0x6400  }
0xf: {  	[sflag:s7] =	ssyncset.done $0x0  }
0x10: {  	[sflag:s7] =	ssyncadd.s32 $0xFFFF9C00  }
0x11: {  	[tilespmem:s9], [sflag:$0x1] =	stream.indirect.gather [hbm4b:s3+s8], $0x20, s2, s8, $0xb8;
	[tilespmem:$0xB600] =	vst v63  }
0x12: {  	s18 =	simm.s32 $0x0  }
0x13: {  	[tilespmem:s11], [sflag:$0x1] =	stream.indirect.gather [hbm4b:s3+s10], $0x20, s8, s10, $0xb8;
	[tilespmem:$0xB600] =	vst v63  }
.LBB2_2:
0x14: {  	s19 =	sshllo.u32 s18, $0x1  }
0x15: {  	s20 =	smul.u32 $0x320, s19;
	_ =	sdelay $0x1  }
0x16: {  	s20 =	sshra.s32 s20, $0x2  }
0x17: {  	[tilespmem:s12], [sflag:$0x2] =	stream.indirect.gather [hbm4b:s3+s8], $0x20, s20, s8, $0xb8;
	[tilespmem:$0xB600] =	vst v63  }
0x18: {  	s20 =	sadd.s32 $0x68, s20  }
0x19: {  	[tilespmem:s13], [sflag:$0x2] =	stream.indirect.gather [hbm4b:s3+s10], $0x20, s20, s10, $0xb8;
	[tilespmem:$0xB600] =	vst v63  }
0x1a: {  	_ =	swait.ge [sflag:s14], $0xD00  }
0x1b: {  	[sflag:s14] =	ssyncset.done $0x0  }
0x1c: {  	[sflag:s14] =	ssyncadd.s32 $0xFFFFF300  }
0x1d: {  	_ =	swait.ge [sflag:s14], $0xC00  }
0x1e: {  	[sflag:s14] =	ssyncset.done $0x0  }
0x1f: {  	s20 =	simm.s32 $0x0;
	[sflag:s14] =	ssyncadd.s32 $0xFFFFF400  }
0x20: {  	v1 =	vld [tilespmem:s20+$0x6410]  }
0x21: {  	v2 =	vld [tilespmem:s20+$0x6430]  }
0x22: {  	v3 =	vld [tilespmem:s20+$0x6450]  }
0x23: {  	v5 =	vld [tilespmem:s20+$0x6490]  }
0x24: {  	v6 =	vld [tilespmem:s20+$0x64B0]  }
0x25: {  	v7 =	vld [tilespmem:s20+$0x64D0]  }
0x26: {  	v10 =	vld [tilespmem:s20+$0x64F0]  }
0x27: {  	v15 =	vld [tilespmem:s20+$0x6460]  }
0x28: {  	v18 =	vld [tilespmem:s20+$0x6480]  }
0x29: {  	v0 =	vimm.f32 $-Inf;
	v8 =	vshll.u32 v1, $0x10;
	v9 =	vshll.u32 v2, $0x10  }
0x2a: {  	v4 =	vld [tilespmem:s20+$0x6470];
	v11 =	vshll.u32 v3, $0x10;
	v14 =	vshll.u32 v5, $0x10;
	v1 =	vand.u32 $0xFFFF0000, v1  }
0x2b: {  	v2 =	vand.u32 $0xFFFF0000, v2;
	v3 =	vand.u32 $0xFFFF0000, v3;
	v5 =	vand.u32 $0xFFFF0000, v5  }
0x2c: {  	v16 =	vand.u32 $0xFFFF0000, v6;
	v17 =	vand.u32 $0xFFFF0000, v7;
	v19 =	vand.u32 $0xFFFF0000, v10  }
0x2d: {  	v59 =	vshll.u32 v15, $0x10;
	v15 =	vand.u32 $0xFFFF0000, v15;
	v20 =	vshll.u32 v18, $0x10  }
0x2e: {  	v18 =	vand.u32 $0xFFFF0000, v18;
	v22 =	vshll.u32 v6, $0x10;
	v12 =	vmax.f32 v8, v9;
	v8 =	vld [tilespmem:s20+$0x6400]  }
0x2f: {  	v58 =	vld [tilespmem:s20+$0x64C0];
	v24 =	vshll.u32 v7, $0x10;
	v10 =	vshll.u32 v10, $0x10;
	v9 =	vshll.u32 v4, $0x10  }
0x30: {  	v13 =	vld [tilespmem:s20+$0x6420];
	v4 =	vand.u32 $0xFFFF0000, v4;
	v1 =	vmax.f32 v1, v2;
	v14 =	vmax.f32 v14, v22  }
0x31: {  	v62 =	vmax.f32 v24, v10;
	v11 =	vmax.f32 v11, v9;
	v9 =	vld [tilespmem:s20+$0x6440];
	v2 =	vmax.f32 v3, v4  }
0x32: {  	v3 =	vld [tilespmem:s20+$0x64A0];
	v4 =	vmax.f32 v5, v16;
	v5 =	vmax.f32 v17, v19;
	v1 =	vmax.f32 v1, v2  }
0x33: {  	v2 =	vmax.f32 v4, v5;
	v57 =	vshll.u32 v8, $0x10;
	v4 =	vand.u32 $0xFFFF0000, v8;
	v8 =	vld [tilespmem:s20+$0x64E0]  }
0x34: {  	v23 =	vshll.u32 v58, $0x10;
	v17 =	vand.u32 $0xFFFF0000, v58;
	v63 =	vmax.f32 v14, v62  }
0x35: {  	v5 =	vshll.u32 v13, $0x10;
	v1 =	vmax.f32 v1, v2;
	v2 =	vand.u32 $0xFFFF0000, v13  }
0x36: {  	s21 =	simm.s32 $0x100;
	v1 =	vmax.f32 v0, v1;
	v13 =	vshll.u32 v9, $0x10;
	v9 =	vand.u32 $0xFFFF0000, v9  }
0x37: {  	v6 =	vld [tilespmem:s21+$0x6410];
	v21 =	vshll.u32 v3, $0x10;
	v3 =	vand.u32 $0xFFFF0000, v3;
	v5 =	vmax.f32 v57, v5  }
0x38: {  	v2 =	vmax.f32 v4, v2;
	v13 =	vmax.f32 v13, v59;
	v7 =	vshll.u32 v8, $0x10  }
0x39: {  	v60 =	vmax.f32 v20, v21;
	v8 =	vand.u32 $0xFFFF0000, v8;
	v61 =	vmax.f32 v23, v7;
	v7 =	vld [tilespmem:s21+$0x6430]  }
0x3a: {  	v4 =	vmax.f32 v9, v15;
	v3 =	vmax.f32 v18, v3;
	v15 =	vmax.f32 v17, v8;
	v8 =	vld [tilespmem:s21+$0x6450]  }
0x3b: {  	v9 =	vld [tilespmem:s21+$0x6470];
	v5 =	vmax.f32 v5, v13;
	v2 =	vmax.f32 v2, v4;
	v13 =	vmax.f32 v60, v61  }
0x3c: {  	v10 =	vld [tilespmem:s21+$0x6490];
	v4 =	vmax.f32 v3, v15;
	v15 =	vmax.f32 v12, v11;
	v11 =	vshll.u32 v6, $0x10  }
0x3d: {  	v3 =	vld [tilespmem:s21+$0x64B0];
	v5 =	vmax.f32 v5, v13;
	v12 =	vmax.f32 v2, v4;
	v13 =	vmax.f32 v15, v63  }
0x3e: {  	s22 =	simm.s32 $0x800;
	v4 =	vld [tilespmem:s21+$0x64D0];
	v2 =	vmax.f32 v0, v5;
	v5 =	vimm.f32 $-Inf;
	v14 =	vshll.u32 v7, $0x10  }
.LBB2_3:
0x3f: {  	p0 =	sne.s32 s22, $0x3000;
	v15 =	vshll.u32 v8, $0x10;
	v16 =	vld [tilespmem:s21+$0x64F0];
	v11 =	vmax.f32 v11, v14;
	v0 =	vmax.f32 v0, v12  }
0x40: {  	v5 =	vmax.f32 v5, v13;
	v12 =	vld [tilespmem:s21+$0x6400];
	v14 =	vshll.u32 v9, $0x10  }
0x41: {  	v13 =	vld [tilespmem:s21+$0x6420];
	v17 =	vshll.u32 v10, $0x10;
	v14 =	vmax.f32 v15, v14  }
0x42: {  	v6 =	vand.u32 $0xFFFF0000, v6;
	v7 =	vand.u32 $0xFFFF0000, v7;
	v8 =	vand.u32 $0xFFFF0000, v8;
	v15 =	vld [tilespmem:s21+$0x6440]  }
0x43: {  	v9 =	vand.u32 $0xFFFF0000, v9;
	v10 =	vand.u32 $0xFFFF0000, v10;
	v19 =	vand.u32 $0xFFFF0000, v3;
	v18 =	vld [tilespmem:s21+$0x6460]  }
0x44: {  	v6 =	vmax.f32 v6, v7;
	v21 =	vand.u32 $0xFFFF0000, v4;
	v20 =	vld [tilespmem:s21+$0x6480];
	v22 =	vand.u32 $0xFFFF0000, v16  }
0x45: {  	v8 =	vmax.f32 v8, v9;
	v9 =	vmax.f32 v10, v19;
	v7 =	vld [tilespmem:s21+$0x64A0];
	v10 =	vmax.f32 v21, v22  }
0x46: {  	v6 =	vmax.f32 v6, v8;
	v19 =	vshll.u32 v12, $0x10;
	v21 =	vld [tilespmem:s21+$0x64C0];
	v8 =	vmax.f32 v9, v10  }
0x47: {  	v9 =	vand.u32 $0xFFFF0000, v12;
	v10 =	vshll.u32 v13, $0x10;
	v12 =	vld [tilespmem:s21+$0x64E0];
	v6 =	vmax.f32 v6, v8  }
0x48: {  	v8 =	vand.u32 $0xFFFF0000, v13;
	v13 =	vshll.u32 v15, $0x10;
	v1 =	vmax.f32 v1, v6  }
0x49: {  	v15 =	vand.u32 $0xFFFF0000, v15;
	v22 =	vshll.u32 v18, $0x10;
	v18 =	vand.u32 $0xFFFF0000, v18  }
0x4a: {  	v23 =	vshll.u32 v20, $0x10;
	v20 =	vand.u32 $0xFFFF0000, v20;
	v24 =	vshll.u32 v7, $0x10  }
0x4b: {  	v3 =	vshll.u32 v3, $0x10;
	v25 =	vand.u32 $0xFFFF0000, v7;
	v7 =	vshll.u32 v21, $0x10  }
0x4c: {  	v4 =	vshll.u32 v4, $0x10;
	v21 =	vand.u32 $0xFFFF0000, v21;
	v26 =	vshll.u32 v12, $0x10  }
0x4d: {  	v16 =	vshll.u32 v16, $0x10;
	s21 =	sshra.s32 s22, $0x2;
	v10 =	vmax.f32 v19, v10;
	v12 =	vand.u32 $0xFFFF0000, v12  }
0x4e: {  	v13 =	vmax.f32 v13, v22;
	v19 =	vmax.f32 v23, v24;
	v22 =	vmax.f32 v7, v26;
	v6 =	vld [tilespmem:s21+$0x6410]  }
0x4f: {  	v15 =	vmax.f32 v15, v18;
	v23 =	vmax.f32 v9, v8;
	v18 =	vmax.f32 v20, v25;
	v7 =	vld [tilespmem:s21+$0x6430]  }
.Ltmp0:
0x50: {  	v3 =	vmax.f32 v17, v3;
	v4 =	vmax.f32 v4, v16;
	v12 =	vmax.f32 v21, v12;
	v8 =	vld [tilespmem:s21+$0x6450];
	(pc) =	sbr.rel @p0 .LBB2_3-.Ltmp0, $4  }
0x51: {  	v13 =	vmax.f32 v10, v13;
	v15 =	vmax.f32 v23, v15;
	v16 =	vmax.f32 v19, v22;
	v9 =	vld [tilespmem:s21+$0x6470]  }
0x52: {  	v17 =	vmax.f32 v11, v14;
	v12 =	vmax.f32 v18, v12;
	v18 =	vmax.f32 v3, v4;
	v10 =	vld [tilespmem:s21+$0x6490]  }
0x53: {  	v13 =	vmax.f32 v13, v16;
	v12 =	vmax.f32 v15, v12;
	v11 =	vshll.u32 v6, $0x10;
	v3 =	vld [tilespmem:s21+$0x64B0]  }
0x54: {  	s22 =	sadd.s32 $0x400, s22;
	v2 =	vmax.f32 v2, v13;
	v13 =	vmax.f32 v17, v18;
	v14 =	vshll.u32 v7, $0x10;
	v4 =	vld [tilespmem:s21+$0x64D0]  }
0x55: {  	v16 =	vld [tilespmem:s21+$0x64F0]  }
0x56: {  	v0 =	vmax.f32 v0, v12;
	v12 =	vld [tilespmem:s21+$0x6400]  }
0x57: {  	v15 =	vshll.u32 v8, $0x10;
	v21 =	vld [tilespmem:s21+$0x6480]  }
0x58: {  	v11 =	vmax.f32 v11, v14;
	v5 =	vmax.f32 v5, v13;
	v6 =	vand.u32 $0xFFFF0000, v6;
	v40 =	vld [tilespmem:s21+$0x64C0]  }
0x59: {  	v7 =	vand.u32 $0xFFFF0000, v7;
	v8 =	vand.u32 $0xFFFF0000, v8;
	v44 =	vld [tilespmem:s20+$0x7150];
	v14 =	vshll.u32 v9, $0x10  }
0x5a: {  	v50 =	vld [tilespmem:s20+$0x7180];
	v9 =	vand.u32 $0xFFFF0000, v9;
	v6 =	vmax.f32 v6, v7;
	v17 =	vshll.u32 v10, $0x10  }
0x5b: {  	v55 =	vld [tilespmem:s20+$0x71C0];
	v14 =	vmax.f32 v15, v14;
	v10 =	vand.u32 $0xFFFF0000, v10;
	v7 =	vmax.f32 v8, v9  }
0x5c: {  	v56 =	vld [tilespmem:s20+$0x71E0];
	v19 =	vand.u32 $0xFFFF0000, v3;
	v6 =	vmax.f32 v6, v7;
	v3 =	vshll.u32 v3, $0x10  }
0x5d: {  	v11 =	vmax.f32 v11, v14;
	v20 =	vand.u32 $0xFFFF0000, v4;
	v9 =	vmax.f32 v10, v19  }
0x5e: {  	v13 =	vld [tilespmem:s21+$0x6420];
	v4 =	vshll.u32 v4, $0x10;
	v3 =	vmax.f32 v17, v3;
	v22 =	vand.u32 $0xFFFF0000, v16  }
0x5f: {  	v8 =	vld [tilespmem:s21+$0x64A0];
	v39 =	vshll.u32 v12, $0x10;
	v41 =	vshll.u32 v21, $0x10;
	v21 =	vand.u32 $0xFFFF0000, v21  }
0x60: {  	v24 =	vshll.u32 v40, $0x10;
	v16 =	vshll.u32 v16, $0x10;
	v47 =	vand.u32 $0xFFFF0000, v44  }
0x61: {  	v15 =	vld [tilespmem:s21+$0x6440];
	v57 =	vshll.u32 v50, $0x10;
	v59 =	vshll.u32 v55, $0x10;
	v26 =	vshll.u32 v56, $0x10  }
0x62: {  	v17 =	vand.u32 $0xFFFF0000, v56;
	v10 =	vmax.f32 v20, v22;
	v20 =	vand.u32 $0xFFFF0000, v40  }
0x63: {  	v4 =	vmax.f32 v4, v16;
	v62 =	vmax.f32 v59, v26;
	v7 =	vmax.f32 v9, v10  }
0x64: {  	v18 =	vld [tilespmem:s21+$0x6460];
	v9 =	vand.u32 $0xFFFF0000, v12;
	v10 =	vshll.u32 v13, $0x10;
	v23 =	vshll.u32 v8, $0x10  }
0x65: {  	v48 =	vld [tilespmem:s20+$0x7160];
	v8 =	vand.u32 $0xFFFF0000, v8;
	v3 =	vmax.f32 v3, v4;
	v6 =	vmax.f32 v6, v7  }
0x66: {  	v12 =	vld [tilespmem:s21+$0x64E0];
	v7 =	vand.u32 $0xFFFF0000, v13;
	v13 =	vshll.u32 v15, $0x10;
	v10 =	vmax.f32 v39, v10  }
0x67: {  	v42 =	vmax.f32 v41, v23;
	v8 =	vmax.f32 v21, v8;
	v3 =	vmax.f32 v11, v3  }
0x68: {  	v11 =	vld [tilespmem:s20+$0x7100];
	v21 =	vand.u32 $0xFFFF0000, v55;
	v1 =	vmax.f32 v1, v6;
	v6 =	vand.u32 $0xFFFF0000, v15  }
0x69: {  	v15 =	vshll.u32 v18, $0x10;
	v18 =	vand.u32 $0xFFFF0000, v18;
	v7 =	vmax.f32 v9, v7  }
0x6a: {  	v9 =	vld [tilespmem:s20+$0x7130];
	v17 =	vmax.f32 v21, v17;
	v13 =	vmax.f32 v13, v15;
	v6 =	vmax.f32 v6, v18  }
0x6b: {  	v15 =	vld [tilespmem:s20+$0x7110];
	v18 =	vand.u32 $0xFFFF0000, v48;
	v10 =	vmax.f32 v10, v13;
	v25 =	vshll.u32 v12, $0x10  }
0x6c: {  	v13 =	vld [tilespmem:s20+$0x7170];
	v6 =	vmax.f32 v7, v6;
	v12 =	vand.u32 $0xFFFF0000, v12;
	v43 =	vmax.f32 v24, v25  }
0x6d: {  	v12 =	vmax.f32 v20, v12;
	v54 =	vshll.u32 v11, $0x10;
	v11 =	vand.u32 $0xFFFF0000, v11  }
0x6e: {  	v20 =	vand.u32 $0xFFFF0000, v50;
	v45 =	vmax.f32 v42, v43;
	v7 =	vmax.f32 v8, v12;
	v8 =	vld [tilespmem:s20+$0x7190]  }
0x6f: {  	v4 =	vmax.f32 v10, v45;
	v10 =	vld [tilespmem:s20+$0x71B0];
	v6 =	vmax.f32 v6, v7;
	v7 =	vshll.u32 v44, $0x10  }
0x70: {  	v12 =	vmax.f32 v2, v4;
	v4 =	vld [tilespmem:s20+$0x71D0];
	v2 =	vmax.f32 v0, v6;
	v0 =	vmax.f32 v5, v3  }
0x71: {  	v3 =	vshll.u32 v15, $0x10;
	v5 =	vld [tilespmem:s20+$0x71F0];
	v6 =	vshll.u32 v9, $0x10;
	v14 =	vshll.u32 v13, $0x10  }
0x72: {  	v9 =	vand.u32 $0xFFFF0000, v9;
	v13 =	vand.u32 $0xFFFF0000, v13;
	v3 =	vmax.f32 v3, v6  }
0x73: {  	v6 =	vld [tilespmem:s20+$0x7120];
	v14 =	vmax.f32 v7, v14;
	v7 =	vand.u32 $0xFFFF0000, v15;
	v13 =	vmax.f32 v47, v13  }
0x74: {  	v7 =	vmax.f32 v7, v9;
	v9 =	vld [tilespmem:s20+$0x71A0];
	v63 =	vmax.f32 v3, v14;
	v46 =	vshll.u32 v8, $0x10  }
0x75: {  	v15 =	vld [tilespmem:s20+$0x7140];
	v8 =	vand.u32 $0xFFFF0000, v8;
	v7 =	vmax.f32 v7, v13;
	v49 =	vand.u32 $0xFFFF0000, v10  }
0x76: {  	v10 =	vshll.u32 v10, $0x10;
	v51 =	vand.u32 $0xFFFF0000, v4;
	v52 =	vand.u32 $0xFFFF0000, v5  }
0x77: {  	v8 =	vmax.f32 v8, v49;
	v60 =	vshll.u32 v4, $0x10;
	v5 =	vshll.u32 v5, $0x10  }
0x78: {  	v16 =	vmax.f32 v46, v10;
	v53 =	vmax.f32 v51, v52;
	v13 =	vshll.u32 v6, $0x10  }
0x79: {  	v5 =	vmax.f32 v60, v5;
	v8 =	vmax.f32 v8, v53;
	v58 =	vshll.u32 v9, $0x10  }
0x7a: {  	s20 =	simm.s32 $0x100;
	v7 =	vmax.f32 v7, v8;
	v8 =	vand.u32 $0xFFFF0000, v6;
	v6 =	vshll.u32 v15, $0x10  }
0x7b: {  	v4 =	vld [tilespmem:s20+$0x7110];
	v1 =	vmax.f32 v1, v7;
	v7 =	vand.u32 $0xFFFF0000, v15;
	v15 =	vshll.u32 v48, $0x10  }
0x7c: {  	v9 =	vand.u32 $0xFFFF0000, v9;
	v13 =	vmax.f32 v54, v13;
	v15 =	vmax.f32 v6, v15;
	v6 =	vld [tilespmem:s20+$0x7130]  }
0x7d: {  	v16 =	vmax.f32 v16, v5;
	v9 =	vmax.f32 v20, v9;
	v18 =	vmax.f32 v7, v18;
	v7 =	vld [tilespmem:s20+$0x7150]  }
0x7e: {  	v61 =	vmax.f32 v57, v58;
	v11 =	vmax.f32 v11, v8;
	v8 =	vld [tilespmem:s20+$0x7170];
	v9 =	vmax.f32 v9, v17  }
0x7f: {  	v10 =	vld [tilespmem:s20+$0x7190];
	v13 =	vmax.f32 v13, v15;
	v15 =	vmax.f32 v61, v62;
	v18 =	vmax.f32 v11, v18  }
0x80: {  	v3 =	vld [tilespmem:s20+$0x71B0];
	v11 =	vshll.u32 v4, $0x10;
	v15 =	vmax.f32 v13, v15;
	v14 =	vmax.f32 v18, v9  }
0x81: {  	s21 =	simm.s32 $0x800;
	v5 =	vld [tilespmem:s20+$0x71D0];
	v9 =	vmax.f32 v12, v15;
	v12 =	vmax.f32 v63, v16;
	v13 =	vshll.u32 v6, $0x10  }
.LBB2_5:
0x82: {  	p0 =	sne.s32 s21, $0x2C00;
	v15 =	vshll.u32 v7, $0x10;
	v16 =	vld [tilespmem:s20+$0x71F0];
	v11 =	vmax.f32 v11, v13;
	v2 =	vmax.f32 v2, v14  }
0x83: {  	v0 =	vmax.f32 v0, v12;
	v13 =	vld [tilespmem:s20+$0x7100];
	v14 =	vshll.u32 v8, $0x10  }
0x84: {  	v12 =	vld [tilespmem:s20+$0x7120];
	v17 =	vshll.u32 v10, $0x10;
	v14 =	vmax.f32 v15, v14  }
0x85: {  	v4 =	vand.u32 $0xFFFF0000, v4;
	v6 =	vand.u32 $0xFFFF0000, v6;
	v7 =	vand.u32 $0xFFFF0000, v7;
	v15 =	vld [tilespmem:s20+$0x7140]  }
0x86: {  	v8 =	vand.u32 $0xFFFF0000, v8;
	v10 =	vand.u32 $0xFFFF0000, v10;
	v19 =	vand.u32 $0xFFFF0000, v3;
	v18 =	vld [tilespmem:s20+$0x7160]  }
0x87: {  	v4 =	vmax.f32 v4, v6;
	v21 =	vand.u32 $0xFFFF0000, v5;
	v20 =	vld [tilespmem:s20+$0x7180];
	v22 =	vand.u32 $0xFFFF0000, v16  }
0x88: {  	v7 =	vmax.f32 v7, v8;
	v8 =	vmax.f32 v10, v19;
	v6 =	vld [tilespmem:s20+$0x71A0];
	v10 =	vmax.f32 v21, v22  }
0x89: {  	v4 =	vmax.f32 v4, v7;
	v19 =	vshll.u32 v13, $0x10;
	v21 =	vld [tilespmem:s20+$0x71C0];
	v7 =	vmax.f32 v8, v10  }
0x8a: {  	v8 =	vand.u32 $0xFFFF0000, v13;
	v10 =	vshll.u32 v12, $0x10;
	v13 =	vld [tilespmem:s20+$0x71E0];
	v4 =	vmax.f32 v4, v7  }
0x8b: {  	v7 =	vand.u32 $0xFFFF0000, v12;
	v12 =	vshll.u32 v15, $0x10;
	v1 =	vmax.f32 v1, v4  }
0x8c: {  	v15 =	vand.u32 $0xFFFF0000, v15;
	v22 =	vshll.u32 v18, $0x10;
	v18 =	vand.u32 $0xFFFF0000, v18  }
0x8d: {  	v23 =	vshll.u32 v20, $0x10;
	v20 =	vand.u32 $0xFFFF0000, v20;
	v24 =	vshll.u32 v6, $0x10  }
0x8e: {  	v3 =	vshll.u32 v3, $0x10;
	v25 =	vand.u32 $0xFFFF0000, v6;
	v6 =	vshll.u32 v21, $0x10  }
0x8f: {  	v5 =	vshll.u32 v5, $0x10;
	v21 =	vand.u32 $0xFFFF0000, v21;
	v26 =	vshll.u32 v13, $0x10  }
0x90: {  	v16 =	vshll.u32 v16, $0x10;
	s20 =	sshra.s32 s21, $0x2;
	v10 =	vmax.f32 v19, v10;
	v13 =	vand.u32 $0xFFFF0000, v13  }
0x91: {  	v12 =	vmax.f32 v12, v22;
	v19 =	vmax.f32 v23, v24;
	v22 =	vmax.f32 v6, v26;
	v4 =	vld [tilespmem:s20+$0x7110]  }
0x92: {  	v15 =	vmax.f32 v15, v18;
	v23 =	vmax.f32 v8, v7;
	v18 =	vmax.f32 v20, v25;
	v6 =	vld [tilespmem:s20+$0x7130]  }
.Ltmp1:
0x93: {  	v3 =	vmax.f32 v17, v3;
	v5 =	vmax.f32 v5, v16;
	v13 =	vmax.f32 v21, v13;
	v7 =	vld [tilespmem:s20+$0x7150];
	(pc) =	sbr.rel @p0 .LBB2_5-.Ltmp1, $4  }
0x94: {  	v12 =	vmax.f32 v10, v12;
	v15 =	vmax.f32 v23, v15;
	v16 =	vmax.f32 v19, v22;
	v8 =	vld [tilespmem:s20+$0x7170]  }
0x95: {  	v17 =	vmax.f32 v11, v14;
	v13 =	vmax.f32 v18, v13;
	v18 =	vmax.f32 v3, v5;
	v10 =	vld [tilespmem:s20+$0x7190]  }
0x96: {  	v12 =	vmax.f32 v12, v16;
	v14 =	vmax.f32 v15, v13;
	v11 =	vshll.u32 v4, $0x10;
	v3 =	vld [tilespmem:s20+$0x71B0]  }
0x97: {  	s21 =	sadd.s32 $0x400, s21;
	v9 =	vmax.f32 v9, v12;
	v12 =	vmax.f32 v17, v18;
	v13 =	vshll.u32 v6, $0x10;
	v5 =	vld [tilespmem:s20+$0x71D0]  }
0x98: {  	v15 =	vld [tilespmem:s20+$0x7100]  }
0x99: {  	v16 =	vld [tilespmem:s20+$0x7120]  }
0x9a: {  	v17 =	vld [tilespmem:s20+$0x7140]  }
0x9b: {  	v18 =	vld [tilespmem:s20+$0x7160]  }
0x9c: {  	v19 =	vld [tilespmem:s20+$0x7180]  }
0x9d: {  	v20 =	vld [tilespmem:s20+$0x71A0]  }
0x9e: {  	v21 =	vld [tilespmem:s20+$0x71C0]  }
0x9f: {  	v22 =	vld [tilespmem:s20+$0x71E0];
	_ =	sdelay $0x2  }
0xa0: {  	v23 =	vshll.u32 v15, $0x10;
	v24 =	vshll.u32 v16, $0x10;
	v25 =	vshll.u32 v17, $0x10  }
0xa1: {  	v26 =	vshll.u32 v18, $0x10;
	v27 =	vshll.u32 v19, $0x10;
	v28 =	vshll.u32 v20, $0x10  }
0xa2: {  	v29 =	vshll.u32 v21, $0x10;
	v36 =	vshll.u32 v22, $0x10;
	v23 =	vmax.f32 v23, v24  }
0xa3: {  	v25 =	vmax.f32 v25, v26;
	v37 =	vmax.f32 v27, v28;
	v24 =	vmax.f32 v29, v36  }
0xa4: {  	v23 =	vmax.f32 v23, v25;
	v24 =	vmax.f32 v37, v24  }
0xa5: {  	v23 =	vmax.f32 v23, v24  }
0xa6: {  	v9 =	vmax.f32 v9, v23  }
0xa7: {  	v9 =	vadd.f32 v9, v9;
	_ =	sdelay $0x1  }
0xa8: {  	v9 =	vmul.f32 $1.442695020e+00, v9;
	_ =	sdelay $0x1  }
0xa9: {  	(erf) = vpow2.f32 v9  }
0xaa: {  	v38 =	vand.u32 $0xFFFF0000, v17;
	v39 =	vand.u32 $0xFFFF0000, v18;
	v40 =	vand.u32 $0xFFFF0000, v19  }
0xab: {  	v41 =	vand.u32 $0xFFFF0000, v20;
	v42 =	vand.u32 $0xFFFF0000, v21;
	v43 =	vand.u32 $0xFFFF0000, v22  }
0xac: {  	v44 =	vmax.f32 v40, v41;
	v9 =	vand.u32 $0xFFFF0000, v15;
	v15 =	vand.u32 $0xFFFF0000, v16  }
0xad: {  	v45 =	vmax.f32 v42, v43;
	v9 =	vmax.f32 v9, v15;
	v15 =	vmax.f32 v38, v39  }
0xae: {  	v9 =	vmax.f32 v9, v15;
	v15 =	vmax.f32 v44, v45  }
0xaf: {  	v9 =	vmax.f32 v9, v15  }
0xb0: {  	v2 =	vmax.f32 v2, v14  }
0xb1: {  	v2 =	vmax.f32 v2, v9  }
0xb2: {  	v14 =	vld [tilespmem:s20+$0x71F0];
	v2 =	vadd.f32 v2, v2;
	v9 =	vpop (erf)  }
0xb3: {  	v9 =	vadd.f32 $1.000000000e+00, v9  }
0xb4: {  	v2 =	vmul.f32 $1.442695020e+00, v2  }
0xb5: {  	(erf) = vrcp.f32 v9  }
0xb6: {  	v46 =	vshll.u32 v5, $0x10;
	(erf) = vpow2.f32 v2  }
0xb7: {  	v47 =	vshll.u32 v14, $0x10;
	v15 =	vshll.u32 v3, $0x10;
	v9 =	vmax.f32 v11, v13  }
0xb8: {  	v11 =	vshll.u32 v8, $0x10;
	v13 =	vshll.u32 v10, $0x10;
	v2 =	vshll.u32 v7, $0x10  }
0xb9: {  	v2 =	vmax.f32 v2, v11;
	v11 =	vmax.f32 v13, v15;
	v13 =	vmax.f32 v46, v47  }
0xba: {  	v2 =	vmax.f32 v9, v2;
	v9 =	vmax.f32 v11, v13  }
0xbb: {  	v2 =	vmax.f32 v2, v9;
	_ =	sdelay $0x1  }
0xbc: {  	v0 =	vmax.f32 v0, v12  }
0xbd: {  	v0 =	vmax.f32 v0, v2;
	v2 =	vpop (erf)  }
0xbe: {  	v0 =	vadd.f32 v0, v0;
	v9 =	vpop (erf)  }
0xbf: {  	v9 =	vadd.f32 $1.000000000e+00, v9  }
0xc0: {  	v0 =	vmul.f32 $1.442695020e+00, v0  }
0xc1: {  	(erf) = vrcp.f32 v9  }
0xc2: {  	(erf) = vpow2.f32 v0;
	_ =	sdelay $0x1  }
0xc3: {  	v5 =	vand.u32 $0xFFFF0000, v5;
	v3 =	vand.u32 $0xFFFF0000, v3;
	v9 =	vand.u32 $0xFFFF0000, v14  }
0xc4: {  	v0 =	vand.u32 $0xFFFF0000, v4;
	v4 =	vand.u32 $0xFFFF0000, v6;
	v6 =	vand.u32 $0xFFFF0000, v7  }
0xc5: {  	v7 =	vand.u32 $0xFFFF0000, v8;
	v8 =	vand.u32 $0xFFFF0000, v10;
	v5 =	vmax.f32 v5, v9  }
0xc6: {  	v0 =	vmax.f32 v0, v4;
	v4 =	vmax.f32 v6, v7;
	v3 =	vmax.f32 v8, v3  }
0xc7: {  	v0 =	vmax.f32 v0, v4;
	v3 =	vmax.f32 v3, v5  }
0xc8: {  	v0 =	vmax.f32 v0, v3  }
0xc9: {  	v0 =	vmax.f32 v1, v0;
	v1 =	vpop (erf)  }
0xca: {  	v0 =	vadd.f32 v0, v0;
	v3 =	vpop (erf)  }
0xcb: {  	v3 =	vadd.f32 $1.000000000e+00, v3  }
0xcc: {  	v0 =	vmul.f32 $1.442695020e+00, v0  }
0xcd: {  	(erf) = vrcp.f32 v3  }
0xce: {  	(erf) = vpow2.f32 v0;
	_ =	sdelay $0x7  }
0xcf: {  	v0 =	vpop (erf)  }
0xd0: {  	v3 =	vpop (erf)  }
0xd1: {  	v3 =	vadd.f32 $1.000000000e+00, v3;
	_ =	sdelay $0x1  }
0xd2: {  	(erf) = vrcp.f32 v3;
	_ =	sdelay $0x6  }
0xd3: {  	v2 =	vadd.f32 v2, v2  }
0xd4: {  	v1 =	vadd.f32 v1, v1  }
0xd5: {  	s31 =	sshll.u32 s18, $0x7;
	v2 =	vsub.f32 $1.000000000e+00, v2;
	v0 =	vadd.f32 v0, v0;
	v3 =	vpop (erf)  }
0xd6: {  	p0 =	seq.s32 s18, $0x3F;
	s20 =	sand.u32 $0x3FFFFF80, s31;
	v1 =	vsub.f32 $1.000000000e+00, v1;
	v3 =	vadd.f32 v3, v3  }
0xd7: {  	s21 =	smul.u32 @!p0 $0x640, s18;
	[tilespmem:s20+$0x9600] =	vst v2;
	v0 =	vsub.f32 $1.000000000e+00, v0  }
0xd8: {  	[tilespmem:s20+$0x9610] =	vst v1;
	v1 =	vsub.f32 $1.000000000e+00, v3  }
0xd9: {  	s21 =	sshra.s32 @!p0 s21, $0x2;
	[tilespmem:s20+$0x9620] =	vst v0  }
0xda: {  	s22 =	simm.s32 @!p0 $0x68;
	s23 =	simm.s32 @!p0 $0x6400;
	[tilespmem:s20+$0x9630] =	vst v1;
	s20 =	sadd.s32 @!p0 $0x190, s21  }
0xdb: {  	[tilespmem:s23], [sflag:$0x1] =	stream.indirect.gather @!p0 [hbm4b:s3+s22], $0x20, s20, s22, $0xb8;
	[tilespmem:$0xB600] =	vst v63  }
0xdc: {  	s20 =	sadd.s32 @!p0 $0x1F8, s21;
	s21 =	simm.s32 @!p0 $0x60;
	s22 =	simm.s32 @!p0 $0x7100  }
0xdd: {  	[tilespmem:s22], [sflag:$0x1] =	stream.indirect.gather @!p0 [hbm4b:s3+s21], $0x20, s20, s21, $0xb8;
	[tilespmem:$0xB600] =	vst v63  }
0xde: {  	_ =	swait.ge [sflag:s15], $0xD00  }
0xdf: {  	[sflag:s15] =	ssyncset.done $0x0  }
0xe0: {  	[sflag:s15] =	ssyncadd.s32 $0xFFFFF300  }
0xe1: {  	_ =	swait.ge [sflag:s15], $0xC00  }
0xe2: {  	[sflag:s15] =	ssyncset.done $0x0  }
0xe3: {  	s20 =	simm.s32 $0x0;
	[sflag:s15] =	ssyncadd.s32 $0xFFFFF400  }
0xe4: {  	v1 =	vld [tilespmem:s20+$0x7D10]  }
0xe5: {  	v2 =	vld [tilespmem:s20+$0x7D30]  }
0xe6: {  	v3 =	vld [tilespmem:s20+$0x7D50]  }
0xe7: {  	v5 =	vld [tilespmem:s20+$0x7D90]  }
0xe8: {  	v6 =	vld [tilespmem:s20+$0x7DB0]  }
0xe9: {  	v7 =	vld [tilespmem:s20+$0x7DD0]  }
0xea: {  	v10 =	vld [tilespmem:s20+$0x7DF0]  }
0xeb: {  	v15 =	vld [tilespmem:s20+$0x7D60]  }
0xec: {  	v50 =	vld [tilespmem:s20+$0x7D80]  }
0xed: {  	v0 =	vimm.f32 $-Inf;
	v8 =	vshll.u32 v1, $0x10;
	v9 =	vshll.u32 v2, $0x10  }
0xee: {  	v4 =	vld [tilespmem:s20+$0x7D70];
	v11 =	vshll.u32 v3, $0x10;
	v14 =	vshll.u32 v5, $0x10;
	v1 =	vand.u32 $0xFFFF0000, v1  }
0xef: {  	v2 =	vand.u32 $0xFFFF0000, v2;
	v3 =	vand.u32 $0xFFFF0000, v3;
	v5 =	vand.u32 $0xFFFF0000, v5  }
0xf0: {  	v48 =	vand.u32 $0xFFFF0000, v6;
	v49 =	vand.u32 $0xFFFF0000, v7;
	v51 =	vand.u32 $0xFFFF0000, v10  }
0xf1: {  	v54 =	vshll.u32 v15, $0x10;
	v15 =	vand.u32 $0xFFFF0000, v15;
	v55 =	vshll.u32 v50, $0x10  }
0xf2: {  	v18 =	vand.u32 $0xFFFF0000, v50;
	v57 =	vshll.u32 v6, $0x10;
	v12 =	vmax.f32 v8, v9;
	v8 =	vld [tilespmem:s20+$0x7D00]  }
0xf3: {  	v53 =	vld [tilespmem:s20+$0x7DC0];
	v59 =	vshll.u32 v7, $0x10;
	v10 =	vshll.u32 v10, $0x10;
	v9 =	vshll.u32 v4, $0x10  }
0xf4: {  	v13 =	vld [tilespmem:s20+$0x7D20];
	v4 =	vand.u32 $0xFFFF0000, v4;
	v1 =	vmax.f32 v1, v2;
	v14 =	vmax.f32 v14, v57  }
0xf5: {  	v62 =	vmax.f32 v59, v10;
	v11 =	vmax.f32 v11, v9;
	v9 =	vld [tilespmem:s20+$0x7D40];
	v2 =	vmax.f32 v3, v4  }
0xf6: {  	v3 =	vld [tilespmem:s20+$0x7DA0];
	v4 =	vmax.f32 v5, v48;
	v5 =	vmax.f32 v49, v51;
	v1 =	vmax.f32 v1, v2  }
0xf7: {  	v2 =	vmax.f32 v4, v5;
	v52 =	vshll.u32 v8, $0x10;
	v4 =	vand.u32 $0xFFFF0000, v8;
	v8 =	vld [tilespmem:s20+$0x7DE0]  }
0xf8: {  	v58 =	vshll.u32 v53, $0x10;
	v17 =	vand.u32 $0xFFFF0000, v53;
	v63 =	vmax.f32 v14, v62  }
0xf9: {  	v5 =	vshll.u32 v13, $0x10;
	v1 =	vmax.f32 v1, v2;
	v2 =	vand.u32 $0xFFFF0000, v13  }
0xfa: {  	s21 =	simm.s32 $0x100;
	v1 =	vmax.f32 v0, v1;
	v13 =	vshll.u32 v9, $0x10;
	v9 =	vand.u32 $0xFFFF0000, v9  }
0xfb: {  	v6 =	vld [tilespmem:s21+$0x7D10];
	v56 =	vshll.u32 v3, $0x10;
	v3 =	vand.u32 $0xFFFF0000, v3;
	v5 =	vmax.f32 v52, v5  }
0xfc: {  	v2 =	vmax.f32 v4, v2;
	v13 =	vmax.f32 v13, v54;
	v7 =	vshll.u32 v8, $0x10  }
0xfd: {  	v60 =	vmax.f32 v55, v56;
	v8 =	vand.u32 $0xFFFF0000, v8;
	v61 =	vmax.f32 v58, v7;
	v7 =	vld [tilespmem:s21+$0x7D30]  }
0xfe: {  	v4 =	vmax.f32 v9, v15;
	v3 =	vmax.f32 v18, v3;
	v15 =	vmax.f32 v17, v8;
	v8 =	vld [tilespmem:s21+$0x7D50]  }
0xff: {  	v9 =	vld [tilespmem:s21+$0x7D70];
	v5 =	vmax.f32 v5, v13;
	v2 =	vmax.f32 v2, v4;
	v13 =	vmax.f32 v60, v61  }
0x100: {  	v10 =	vld [tilespmem:s21+$0x7D90];
	v4 =	vmax.f32 v3, v15;
	v15 =	vmax.f32 v12, v11;
	v11 =	vshll.u32 v6, $0x10  }
0x101: {  	v3 =	vld [tilespmem:s21+$0x7DB0];
	v5 =	vmax.f32 v5, v13;
	v12 =	vmax.f32 v2, v4;
	v13 =	vmax.f32 v15, v63  }
0x102: {  	s22 =	simm.s32 $0x800;
	v4 =	vld [tilespmem:s21+$0x7DD0];
	v2 =	vmax.f32 v0, v5;
	v5 =	vimm.f32 $-Inf;
	v14 =	vshll.u32 v7, $0x10  }
.LBB2_7:
0x103: {  	p0 =	sne.s32 s22, $0x3000;
	v15 =	vshll.u32 v8, $0x10;
	v16 =	vld [tilespmem:s21+$0x7DF0];
	v11 =	vmax.f32 v11, v14;
	v0 =	vmax.f32 v0, v12  }
0x104: {  	v5 =	vmax.f32 v5, v13;
	v12 =	vld [tilespmem:s21+$0x7D00];
	v14 =	vshll.u32 v9, $0x10  }
0x105: {  	v13 =	vld [tilespmem:s21+$0x7D20];
	v17 =	vshll.u32 v10, $0x10;
	v14 =	vmax.f32 v15, v14  }
0x106: {  	v6 =	vand.u32 $0xFFFF0000, v6;
	v7 =	vand.u32 $0xFFFF0000, v7;
	v8 =	vand.u32 $0xFFFF0000, v8;
	v15 =	vld [tilespmem:s21+$0x7D40]  }
0x107: {  	v9 =	vand.u32 $0xFFFF0000, v9;
	v10 =	vand.u32 $0xFFFF0000, v10;
	v19 =	vand.u32 $0xFFFF0000, v3;
	v18 =	vld [tilespmem:s21+$0x7D60]  }
0x108: {  	v6 =	vmax.f32 v6, v7;
	v21 =	vand.u32 $0xFFFF0000, v4;
	v20 =	vld [tilespmem:s21+$0x7D80];
	v22 =	vand.u32 $0xFFFF0000, v16  }
0x109: {  	v8 =	vmax.f32 v8, v9;
	v9 =	vmax.f32 v10, v19;
	v7 =	vld [tilespmem:s21+$0x7DA0];
	v10 =	vmax.f32 v21, v22  }
0x10a: {  	v6 =	vmax.f32 v6, v8;
	v19 =	vshll.u32 v12, $0x10;
	v21 =	vld [tilespmem:s21+$0x7DC0];
	v8 =	vmax.f32 v9, v10  }
0x10b: {  	v9 =	vand.u32 $0xFFFF0000, v12;
	v10 =	vshll.u32 v13, $0x10;
	v12 =	vld [tilespmem:s21+$0x7DE0];
	v6 =	vmax.f32 v6, v8  }
0x10c: {  	v8 =	vand.u32 $0xFFFF0000, v13;
	v13 =	vshll.u32 v15, $0x10;
	v1 =	vmax.f32 v1, v6  }
0x10d: {  	v15 =	vand.u32 $0xFFFF0000, v15;
	v22 =	vshll.u32 v18, $0x10;
	v18 =	vand.u32 $0xFFFF0000, v18  }
0x10e: {  	v23 =	vshll.u32 v20, $0x10;
	v20 =	vand.u32 $0xFFFF0000, v20;
	v24 =	vshll.u32 v7, $0x10  }
0x10f: {  	v3 =	vshll.u32 v3, $0x10;
	v25 =	vand.u32 $0xFFFF0000, v7;
	v7 =	vshll.u32 v21, $0x10  }
0x110: {  	v4 =	vshll.u32 v4, $0x10;
	v21 =	vand.u32 $0xFFFF0000, v21;
	v26 =	vshll.u32 v12, $0x10  }
0x111: {  	v16 =	vshll.u32 v16, $0x10;
	s21 =	sshra.s32 s22, $0x2;
	v10 =	vmax.f32 v19, v10;
	v12 =	vand.u32 $0xFFFF0000, v12  }
0x112: {  	v13 =	vmax.f32 v13, v22;
	v19 =	vmax.f32 v23, v24;
	v22 =	vmax.f32 v7, v26;
	v6 =	vld [tilespmem:s21+$0x7D10]  }
0x113: {  	v15 =	vmax.f32 v15, v18;
	v23 =	vmax.f32 v9, v8;
	v18 =	vmax.f32 v20, v25;
	v7 =	vld [tilespmem:s21+$0x7D30]  }
.Ltmp2:
0x114: {  	v3 =	vmax.f32 v17, v3;
	v4 =	vmax.f32 v4, v16;
	v12 =	vmax.f32 v21, v12;
	v8 =	vld [tilespmem:s21+$0x7D50];
	(pc) =	sbr.rel @p0 .LBB2_7-.Ltmp2, $4  }
0x115: {  	v13 =	vmax.f32 v10, v13;
	v15 =	vmax.f32 v23, v15;
	v16 =	vmax.f32 v19, v22;
	v9 =	vld [tilespmem:s21+$0x7D70]  }
0x116: {  	v17 =	vmax.f32 v11, v14;
	v12 =	vmax.f32 v18, v12;
	v18 =	vmax.f32 v3, v4;
	v10 =	vld [tilespmem:s21+$0x7D90]  }
0x117: {  	v13 =	vmax.f32 v13, v16;
	v12 =	vmax.f32 v15, v12;
	v11 =	vshll.u32 v6, $0x10;
	v3 =	vld [tilespmem:s21+$0x7DB0]  }
0x118: {  	s22 =	sadd.s32 $0x400, s22;
	v2 =	vmax.f32 v2, v13;
	v13 =	vmax.f32 v17, v18;
	v14 =	vshll.u32 v7, $0x10;
	v4 =	vld [tilespmem:s21+$0x7DD0]  }
0x119: {  	v16 =	vld [tilespmem:s21+$0x7DF0]  }
0x11a: {  	v0 =	vmax.f32 v0, v12;
	v12 =	vld [tilespmem:s21+$0x7D00]  }
0x11b: {  	v15 =	vshll.u32 v8, $0x10;
	v21 =	vld [tilespmem:s21+$0x7D80]  }
0x11c: {  	v11 =	vmax.f32 v11, v14;
	v5 =	vmax.f32 v5, v13;
	v6 =	vand.u32 $0xFFFF0000, v6;
	v40 =	vld [tilespmem:s21+$0x7DC0]  }
0x11d: {  	v7 =	vand.u32 $0xFFFF0000, v7;
	v8 =	vand.u32 $0xFFFF0000, v8;
	v44 =	vld [tilespmem:s20+$0x8A50];
	v14 =	vshll.u32 v9, $0x10  }
0x11e: {  	v50 =	vld [tilespmem:s20+$0x8A80];
	v9 =	vand.u32 $0xFFFF0000, v9;
	v6 =	vmax.f32 v6, v7;
	v17 =	vshll.u32 v10, $0x10  }
0x11f: {  	v55 =	vld [tilespmem:s20+$0x8AC0];
	v14 =	vmax.f32 v15, v14;
	v10 =	vand.u32 $0xFFFF0000, v10;
	v7 =	vmax.f32 v8, v9  }
0x120: {  	v56 =	vld [tilespmem:s20+$0x8AE0];
	v19 =	vand.u32 $0xFFFF0000, v3;
	v6 =	vmax.f32 v6, v7;
	v3 =	vshll.u32 v3, $0x10  }
0x121: {  	v11 =	vmax.f32 v11, v14;
	v20 =	vand.u32 $0xFFFF0000, v4;
	v9 =	vmax.f32 v10, v19  }
0x122: {  	v13 =	vld [tilespmem:s21+$0x7D20];
	v4 =	vshll.u32 v4, $0x10;
	v3 =	vmax.f32 v17, v3;
	v22 =	vand.u32 $0xFFFF0000, v16  }
0x123: {  	v8 =	vld [tilespmem:s21+$0x7DA0];
	v39 =	vshll.u32 v12, $0x10;
	v41 =	vshll.u32 v21, $0x10;
	v21 =	vand.u32 $0xFFFF0000, v21  }
0x124: {  	v24 =	vshll.u32 v40, $0x10;
	v16 =	vshll.u32 v16, $0x10;
	v47 =	vand.u32 $0xFFFF0000, v44  }
0x125: {  	v15 =	vld [tilespmem:s21+$0x7D40];
	v57 =	vshll.u32 v50, $0x10;
	v59 =	vshll.u32 v55, $0x10;
	v26 =	vshll.u32 v56, $0x10  }
0x126: {  	v17 =	vand.u32 $0xFFFF0000, v56;
	v10 =	vmax.f32 v20, v22;
	v20 =	vand.u32 $0xFFFF0000, v40  }
0x127: {  	v4 =	vmax.f32 v4, v16;
	v62 =	vmax.f32 v59, v26;
	v7 =	vmax.f32 v9, v10  }
0x128: {  	v18 =	vld [tilespmem:s21+$0x7D60];
	v9 =	vand.u32 $0xFFFF0000, v12;
	v10 =	vshll.u32 v13, $0x10;
	v23 =	vshll.u32 v8, $0x10  }
0x129: {  	v48 =	vld [tilespmem:s20+$0x8A60];
	v8 =	vand.u32 $0xFFFF0000, v8;
	v3 =	vmax.f32 v3, v4;
	v6 =	vmax.f32 v6, v7  }
0x12a: {  	v12 =	vld [tilespmem:s21+$0x7DE0];
	v7 =	vand.u32 $0xFFFF0000, v13;
	v13 =	vshll.u32 v15, $0x10;
	v10 =	vmax.f32 v39, v10  }
0x12b: {  	v42 =	vmax.f32 v41, v23;
	v8 =	vmax.f32 v21, v8;
	v3 =	vmax.f32 v11, v3  }
0x12c: {  	v11 =	vld [tilespmem:s20+$0x8A00];
	v21 =	vand.u32 $0xFFFF0000, v55;
	v1 =	vmax.f32 v1, v6;
	v6 =	vand.u32 $0xFFFF0000, v15  }
0x12d: {  	v15 =	vshll.u32 v18, $0x10;
	v18 =	vand.u32 $0xFFFF0000, v18;
	v7 =	vmax.f32 v9, v7  }
0x12e: {  	v9 =	vld [tilespmem:s20+$0x8A30];
	v17 =	vmax.f32 v21, v17;
	v13 =	vmax.f32 v13, v15;
	v6 =	vmax.f32 v6, v18  }
0x12f: {  	v15 =	vld [tilespmem:s20+$0x8A10];
	v18 =	vand.u32 $0xFFFF0000, v48;
	v10 =	vmax.f32 v10, v13;
	v25 =	vshll.u32 v12, $0x10  }
0x130: {  	v13 =	vld [tilespmem:s20+$0x8A70];
	v6 =	vmax.f32 v7, v6;
	v12 =	vand.u32 $0xFFFF0000, v12;
	v43 =	vmax.f32 v24, v25  }
0x131: {  	v12 =	vmax.f32 v20, v12;
	v54 =	vshll.u32 v11, $0x10;
	v11 =	vand.u32 $0xFFFF0000, v11  }
0x132: {  	v20 =	vand.u32 $0xFFFF0000, v50;
	v45 =	vmax.f32 v42, v43;
	v7 =	vmax.f32 v8, v12;
	v8 =	vld [tilespmem:s20+$0x8A90]  }
0x133: {  	v4 =	vmax.f32 v10, v45;
	v10 =	vld [tilespmem:s20+$0x8AB0];
	v6 =	vmax.f32 v6, v7;
	v7 =	vshll.u32 v44, $0x10  }
0x134: {  	v12 =	vmax.f32 v2, v4;
	v4 =	vld [tilespmem:s20+$0x8AD0];
	v2 =	vmax.f32 v0, v6;
	v0 =	vmax.f32 v5, v3  }
0x135: {  	v3 =	vshll.u32 v15, $0x10;
	v5 =	vld [tilespmem:s20+$0x8AF0];
	v6 =	vshll.u32 v9, $0x10;
	v14 =	vshll.u32 v13, $0x10  }
0x136: {  	v9 =	vand.u32 $0xFFFF0000, v9;
	v13 =	vand.u32 $0xFFFF0000, v13;
	v3 =	vmax.f32 v3, v6  }
0x137: {  	v6 =	vld [tilespmem:s20+$0x8A20];
	v14 =	vmax.f32 v7, v14;
	v7 =	vand.u32 $0xFFFF0000, v15;
	v13 =	vmax.f32 v47, v13  }
0x138: {  	v7 =	vmax.f32 v7, v9;
	v9 =	vld [tilespmem:s20+$0x8AA0];
	v63 =	vmax.f32 v3, v14;
	v46 =	vshll.u32 v8, $0x10  }
0x139: {  	v15 =	vld [tilespmem:s20+$0x8A40];
	v8 =	vand.u32 $0xFFFF0000, v8;
	v7 =	vmax.f32 v7, v13;
	v49 =	vand.u32 $0xFFFF0000, v10  }
0x13a: {  	v10 =	vshll.u32 v10, $0x10;
	v51 =	vand.u32 $0xFFFF0000, v4;
	v52 =	vand.u32 $0xFFFF0000, v5  }
0x13b: {  	v8 =	vmax.f32 v8, v49;
	v60 =	vshll.u32 v4, $0x10;
	v5 =	vshll.u32 v5, $0x10  }
0x13c: {  	v16 =	vmax.f32 v46, v10;
	v53 =	vmax.f32 v51, v52;
	v13 =	vshll.u32 v6, $0x10  }
0x13d: {  	v5 =	vmax.f32 v60, v5;
	v8 =	vmax.f32 v8, v53;
	v58 =	vshll.u32 v9, $0x10  }
0x13e: {  	s20 =	simm.s32 $0x100;
	v7 =	vmax.f32 v7, v8;
	v8 =	vand.u32 $0xFFFF0000, v6;
	v6 =	vshll.u32 v15, $0x10  }
0x13f: {  	v4 =	vld [tilespmem:s20+$0x8A10];
	v1 =	vmax.f32 v1, v7;
	v7 =	vand.u32 $0xFFFF0000, v15;
	v15 =	vshll.u32 v48, $0x10  }
0x140: {  	v9 =	vand.u32 $0xFFFF0000, v9;
	v13 =	vmax.f32 v54, v13;
	v15 =	vmax.f32 v6, v15;
	v6 =	vld [tilespmem:s20+$0x8A30]  }
0x141: {  	v16 =	vmax.f32 v16, v5;
	v9 =	vmax.f32 v20, v9;
	v18 =	vmax.f32 v7, v18;
	v7 =	vld [tilespmem:s20+$0x8A50]  }
0x142: {  	v61 =	vmax.f32 v57, v58;
	v11 =	vmax.f32 v11, v8;
	v8 =	vld [tilespmem:s20+$0x8A70];
	v9 =	vmax.f32 v9, v17  }
0x143: {  	v10 =	vld [tilespmem:s20+$0x8A90];
	v13 =	vmax.f32 v13, v15;
	v15 =	vmax.f32 v61, v62;
	v18 =	vmax.f32 v11, v18  }
0x144: {  	v3 =	vld [tilespmem:s20+$0x8AB0];
	v11 =	vshll.u32 v4, $0x10;
	v15 =	vmax.f32 v13, v15;
	v14 =	vmax.f32 v18, v9  }
0x145: {  	s21 =	simm.s32 $0x800;
	v5 =	vld [tilespmem:s20+$0x8AD0];
	v9 =	vmax.f32 v12, v15;
	v12 =	vmax.f32 v63, v16;
	v13 =	vshll.u32 v6, $0x10  }
.LBB2_9:
0x146: {  	p0 =	sne.s32 s21, $0x2C00;
	v15 =	vshll.u32 v7, $0x10;
	v16 =	vld [tilespmem:s20+$0x8AF0];
	v11 =	vmax.f32 v11, v13;
	v2 =	vmax.f32 v2, v14  }
0x147: {  	v0 =	vmax.f32 v0, v12;
	v13 =	vld [tilespmem:s20+$0x8A00];
	v14 =	vshll.u32 v8, $0x10  }
0x148: {  	v12 =	vld [tilespmem:s20+$0x8A20];
	v17 =	vshll.u32 v10, $0x10;
	v14 =	vmax.f32 v15, v14  }
0x149: {  	v4 =	vand.u32 $0xFFFF0000, v4;
	v6 =	vand.u32 $0xFFFF0000, v6;
	v7 =	vand.u32 $0xFFFF0000, v7;
	v15 =	vld [tilespmem:s20+$0x8A40]  }
0x14a: {  	v8 =	vand.u32 $0xFFFF0000, v8;
	v10 =	vand.u32 $0xFFFF0000, v10;
	v19 =	vand.u32 $0xFFFF0000, v3;
	v18 =	vld [tilespmem:s20+$0x8A60]  }
0x14b: {  	v4 =	vmax.f32 v4, v6;
	v21 =	vand.u32 $0xFFFF0000, v5;
	v20 =	vld [tilespmem:s20+$0x8A80];
	v22 =	vand.u32 $0xFFFF0000, v16  }
0x14c: {  	v7 =	vmax.f32 v7, v8;
	v8 =	vmax.f32 v10, v19;
	v6 =	vld [tilespmem:s20+$0x8AA0];
	v10 =	vmax.f32 v21, v22  }
0x14d: {  	v4 =	vmax.f32 v4, v7;
	v19 =	vshll.u32 v13, $0x10;
	v21 =	vld [tilespmem:s20+$0x8AC0];
	v7 =	vmax.f32 v8, v10  }
0x14e: {  	v8 =	vand.u32 $0xFFFF0000, v13;
	v10 =	vshll.u32 v12, $0x10;
	v13 =	vld [tilespmem:s20+$0x8AE0];
	v4 =	vmax.f32 v4, v7  }
0x14f: {  	v7 =	vand.u32 $0xFFFF0000, v12;
	v12 =	vshll.u32 v15, $0x10;
	v1 =	vmax.f32 v1, v4  }
0x150: {  	v15 =	vand.u32 $0xFFFF0000, v15;
	v22 =	vshll.u32 v18, $0x10;
	v18 =	vand.u32 $0xFFFF0000, v18  }
0x151: {  	v23 =	vshll.u32 v20, $0x10;
	v20 =	vand.u32 $0xFFFF0000, v20;
	v24 =	vshll.u32 v6, $0x10  }
0x152: {  	v3 =	vshll.u32 v3, $0x10;
	v25 =	vand.u32 $0xFFFF0000, v6;
	v6 =	vshll.u32 v21, $0x10  }
0x153: {  	v5 =	vshll.u32 v5, $0x10;
	v21 =	vand.u32 $0xFFFF0000, v21;
	v26 =	vshll.u32 v13, $0x10  }
0x154: {  	v16 =	vshll.u32 v16, $0x10;
	s20 =	sshra.s32 s21, $0x2;
	v10 =	vmax.f32 v19, v10;
	v13 =	vand.u32 $0xFFFF0000, v13  }
0x155: {  	v12 =	vmax.f32 v12, v22;
	v19 =	vmax.f32 v23, v24;
	v22 =	vmax.f32 v6, v26;
	v4 =	vld [tilespmem:s20+$0x8A10]  }
0x156: {  	v15 =	vmax.f32 v15, v18;
	v23 =	vmax.f32 v8, v7;
	v18 =	vmax.f32 v20, v25;
	v6 =	vld [tilespmem:s20+$0x8A30]  }
.Ltmp3:
0x157: {  	v3 =	vmax.f32 v17, v3;
	v5 =	vmax.f32 v5, v16;
	v13 =	vmax.f32 v21, v13;
	v7 =	vld [tilespmem:s20+$0x8A50];
	(pc) =	sbr.rel @p0 .LBB2_9-.Ltmp3, $4  }
0x158: {  	v12 =	vmax.f32 v10, v12;
	v15 =	vmax.f32 v23, v15;
	v16 =	vmax.f32 v19, v22;
	v8 =	vld [tilespmem:s20+$0x8A70]  }
0x159: {  	v17 =	vmax.f32 v11, v14;
	v13 =	vmax.f32 v18, v13;
	v18 =	vmax.f32 v3, v5;
	v10 =	vld [tilespmem:s20+$0x8A90]  }
0x15a: {  	v12 =	vmax.f32 v12, v16;
	v14 =	vmax.f32 v15, v13;
	v11 =	vshll.u32 v4, $0x10;
	v3 =	vld [tilespmem:s20+$0x8AB0]  }
0x15b: {  	s21 =	sadd.s32 $0x400, s21;
	v9 =	vmax.f32 v9, v12;
	v12 =	vmax.f32 v17, v18;
	v13 =	vshll.u32 v6, $0x10;
	v5 =	vld [tilespmem:s20+$0x8AD0]  }
0x15c: {  	v15 =	vld [tilespmem:s20+$0x8A00]  }
0x15d: {  	v16 =	vld [tilespmem:s20+$0x8A20]  }
0x15e: {  	v17 =	vld [tilespmem:s20+$0x8A40]  }
0x15f: {  	v18 =	vld [tilespmem:s20+$0x8A60]  }
0x160: {  	v19 =	vld [tilespmem:s20+$0x8A80]  }
0x161: {  	v20 =	vld [tilespmem:s20+$0x8AA0]  }
0x162: {  	v21 =	vld [tilespmem:s20+$0x8AC0]  }
0x163: {  	v22 =	vld [tilespmem:s20+$0x8AE0];
	_ =	sdelay $0x2  }
0x164: {  	v23 =	vshll.u32 v15, $0x10;
	v24 =	vshll.u32 v16, $0x10;
	v25 =	vshll.u32 v17, $0x10  }
0x165: {  	v26 =	vshll.u32 v18, $0x10;
	v27 =	vshll.u32 v19, $0x10;
	v28 =	vshll.u32 v20, $0x10  }
0x166: {  	v29 =	vshll.u32 v21, $0x10;
	v62 =	vshll.u32 v22, $0x10;
	v23 =	vmax.f32 v23, v24  }
0x167: {  	v25 =	vmax.f32 v25, v26;
	v63 =	vmax.f32 v27, v28;
	v24 =	vmax.f32 v29, v62  }
0x168: {  	v23 =	vmax.f32 v23, v25;
	v24 =	vmax.f32 v63, v24  }
0x169: {  	v23 =	vmax.f32 v23, v24  }
0x16a: {  	v9 =	vmax.f32 v9, v23  }
0x16b: {  	v9 =	vadd.f32 v9, v9;
	_ =	sdelay $0x1  }
0x16c: {  	v9 =	vmul.f32 $1.442695020e+00, v9;
	_ =	sdelay $0x1  }
0x16d: {  	(erf) = vpow2.f32 v9;
	_ =	sdelay $0x1  }
0x16e: {  	v30 =	vand.u32 $0xFFFF0000, v21;
	v31 =	vand.u32 $0xFFFF0000, v22;
	v26 =	vand.u32 $0xFFFF0000, v17  }
0x16f: {  	v27 =	vand.u32 $0xFFFF0000, v18;
	v28 =	vand.u32 $0xFFFF0000, v19;
	v29 =	vand.u32 $0xFFFF0000, v20  }
0x170: {  	v34 =	vmax.f32 v30, v31;
	v25 =	vand.u32 $0xFFFF0000, v16;
	v24 =	vand.u32 $0xFFFF0000, v15  }
0x171: {  	v32 =	vmax.f32 v26, v27;
	v33 =	vmax.f32 v28, v29;
	v9 =	vmax.f32 v24, v25  }
0x172: {  	v35 =	vmax.f32 v33, v34;
	v9 =	vmax.f32 v9, v32  }
0x173: {  	v2 =	vmax.f32 v2, v14;
	v9 =	vmax.f32 v9, v35  }
0x174: {  	v2 =	vmax.f32 v2, v9  }
0x175: {  	v2 =	vadd.f32 v2, v2;
	v36 =	vpop (erf)  }
0x176: {  	v9 =	vadd.f32 $1.000000000e+00, v36  }
0x177: {  	v2 =	vmul.f32 $1.442695020e+00, v2  }
0x178: {  	v37 =	vld [tilespmem:s20+$0x8AF0];
	(erf) = vrcp.f32 v9  }
0x179: {  	(erf) = vpow2.f32 v2;
	_ =	sdelay $0x1  }
0x17a: {  	v38 =	vshll.u32 v7, $0x10  }
0x17b: {  	v39 =	vmax.f32 v11, v13;
	v40 =	vshll.u32 v8, $0x10;
	v41 =	vshll.u32 v10, $0x10  }
0x17c: {  	v42 =	vshll.u32 v3, $0x10;
	v43 =	vshll.u32 v5, $0x10;
	v44 =	vshll.u32 v37, $0x10  }
0x17d: {  	v45 =	vmax.f32 v41, v42;
	v46 =	vmax.f32 v43, v44;
	v2 =	vmax.f32 v38, v40  }
0x17e: {  	v47 =	vmax.f32 v45, v46;
	v2 =	vmax.f32 v39, v2  }
0x17f: {  	v0 =	vmax.f32 v0, v12;
	v2 =	vmax.f32 v2, v47  }
0x180: {  	v0 =	vmax.f32 v0, v2;
	v48 =	vpop (erf)  }
0x181: {  	v0 =	vadd.f32 v0, v0;
	v49 =	vpop (erf)  }
0x182: {  	v9 =	vadd.f32 $1.000000000e+00, v49  }
0x183: {  	v0 =	vmul.f32 $1.442695020e+00, v0  }
0x184: {  	(erf) = vrcp.f32 v9  }
0x185: {  	(erf) = vpow2.f32 v0;
	_ =	sdelay $0x1  }
0x186: {  	v50 =	vand.u32 $0xFFFF0000, v4;
	v52 =	vand.u32 $0xFFFF0000, v7;
	v53 =	vand.u32 $0xFFFF0000, v8  }
0x187: {  	v51 =	vand.u32 $0xFFFF0000, v6;
	v54 =	vand.u32 $0xFFFF0000, v10;
	v58 =	vmax.f32 v52, v53  }
0x188: {  	v55 =	vand.u32 $0xFFFF0000, v3;
	v56 =	vand.u32 $0xFFFF0000, v5;
	v57 =	vand.u32 $0xFFFF0000, v37  }
0x189: {  	v3 =	vmax.f32 v54, v55;
	v5 =	vmax.f32 v56, v57;
	v0 =	vmax.f32 v50, v51  }
0x18a: {  	v3 =	vmax.f32 v3, v5;
	v0 =	vmax.f32 v0, v58  }
0x18b: {  	v0 =	vmax.f32 v0, v3  }
0x18c: {  	v0 =	vmax.f32 v1, v0;
	v59 =	vpop (erf)  }
0x18d: {  	v0 =	vadd.f32 v0, v0;
	v60 =	vpop (erf)  }
0x18e: {  	v3 =	vadd.f32 $1.000000000e+00, v60  }
0x18f: {  	v0 =	vmul.f32 $1.442695020e+00, v0  }
0x190: {  	(erf) = vrcp.f32 v3  }
0x191: {  	(erf) = vpow2.f32 v0;
	_ =	sdelay $0x7  }
0x192: {  	v61 =	vpop (erf)  }
0x193: {  	v62 =	vpop (erf)  }
0x194: {  	v3 =	vadd.f32 $1.000000000e+00, v62;
	_ =	sdelay $0x1  }
0x195: {  	(erf) = vrcp.f32 v3;
	_ =	sdelay $0x6  }
0x196: {  	v2 =	vadd.f32 v48, v48  }
0x197: {  	s18 =	sadd.s32 $0x1, s18;
	v1 =	vadd.f32 v59, v59  }
0x198: {  	s19 =	sshll.u32 s19, $0x6;
	p0 =	sne.s32 s18, $0x40;
	v2 =	vsub.f32 $1.000000000e+00, v2;
	v0 =	vadd.f32 v61, v61;
	v3 =	vpop (erf)  }
.Ltmp4:
0x199: {  	s19 =	sand.u32 $0x3FFFFFC0, s19;
	v1 =	vsub.f32 $1.000000000e+00, v1;
	v3 =	vadd.f32 v3, v3;
	(pc) =	sbr.rel @p0 .LBB2_2-.Ltmp4, $4  }
0x19a: {  	[tilespmem:s19+$0x9600] =	vst v2;
	v0 =	vsub.f32 $1.000000000e+00, v0  }
0x19b: {  	[tilespmem:s19+$0x9610] =	vst v1;
	v63 =	vsub.f32 $1.000000000e+00, v3  }
0x19c: {  	[tilespmem:s19+$0x9620] =	vst v0  }
0x19d: {  	[tilespmem:s19+$0x9630] =	vst v63  }
0x19e: {  	s17 =	sadd.s32 $0x1, s17  }
0x19f: {  	p0 =	sne.s32 s17, s6  }
.Ltmp5:
0x1a0: {  	_ = 	snop;
	(pc) =	sbr.rel @p0 .LBB2_1-.Ltmp5, $4  }
0x1a1: {  	[hbm4b:s5+s2] =	stream.linear.scatter [tilespmem:s16], [sflag:$0x3], $0x2000, $0x38;
	[tilespmem:$0xB600] =	vst v63  }
0x1a2: {  	_ =	swait.ge [sflag:s7], $0x2000  }
0x1a3: {  	[sflag:s7] =	ssyncset.done $0x0  }
0x1a4: {  	[sflag:s7] =	ssyncadd.s32 $0xFFFFE000  }
0x1a5: {  	_ =	sfence.sel $0x180000  }
0x1a6: {  	[bflag:$0x0] =	sbarrier.arrive $0xFFFF  }
0x1a7: {  	p0 =	sne.s32 s0, $0x0;
	_ =	strace $0x90000047  }
0x1a8: {  	s0 =	sadd.s32 @!p0 $0x100000, s1;
	[bflag:$0x2] =	sbarrier.arrive $0xFFFF  }
0x1a9: {  	[sflag:s0] =	ssyncadd.tile.s32 @!p0 $0x1;
	_ =	shalt  }
.Lfunc_end2:
_tile_overlayer_lowered:
.L_overlay_start_2:
0x1aa: {  	(tag) =	ssettag $0x2  }
0x1ab: {  	s0 =	rddreg [dreg:$0x0];
	s2 =	stileid.u32  }
0x1ac: {  	s1 =	rddreg [dreg:$0x1];
	p0 =	sne.s32 s2, $0x0  }
0x1ad: {  	s3 =	rddreg [dreg:$0x2];
	[bflag:$0x3] =	sbarrier.arrive $0xFFFF;
	s2 =	simm.s32 @!p0 $0x1C03  }
0x1ae: {  	[timem:s3], [sflag:s2] =	dma.local @!p0 [hbm:s0], s1  }
0x1af: {  	s0 =	simm.s32 @!p0 $0x3  }
0x1b0: {  	_ =	swait.ge @!p0 [sflag:s0], s1  }
0x1b1: {  	s1 =	ssub.s32 @!p0 $0x0, s1;
	[sflag:s0] =	ssyncset.done @!p0 $0x0  }
0x1b2: {  	[sflag:s0] =	ssyncadd.s32 @!p0 s1  }
0x1b3: {  	[bflag:$0x3] =	sbarrier.arrive $0xFFFF  }
0x1b4: {  	_ =	shalt  }

</sc_bundles>
